<compile_context>
chip_gen: v7x
topology: tpu7x:2x2x1
jax: 0.10.2.dev20260603
libtpu: 0.0.44.dev20260713+nightly
codegen_flags: <defaults>
</compile_context>

<pallas_src>
import functools

import jax
import jax.numpy as jnp
from jax import lax
from jax.experimental import pallas as pl
from jax.experimental.pallas import tpu as pltpu
from jax.experimental.pallas import tpu_sc as plsc

_NUM_WORKERS = 32
_CHUNK = 200
_LANES = 16
_GSPLIT = 128
_IBUF = 208
_UNROLL = 8


def _embed_body(max_len, per_worker, idx_hbm, tblp_hbm, pos_hbm, out_hbm,
                idxb0, idxb1, rows0, rows1, outb, pos_v,
                isem0, isem1, gsem0, gsem1, osem):
    d = pos_v.shape[1]
    n_dsl = d // _LANES
    n_chunks = per_worker // _CHUNK
    wid = lax.axis_index("s") * 2 + lax.axis_index("c")
    base = wid * per_worker
    scale = jnp.float32(float(d) ** 0.5)

    bufs = (rows0, rows1)
    idxbs = (idxb0, idxb1)
    isems = (isem0, isem1)
    gsems = (gsem0, gsem1)

    pltpu.sync_copy(pos_hbm, pos_v)

    def load_idx(c, slot):
        pltpu.async_copy(idx_hbm.at[pl.ds(base + c * _CHUNK, _CHUNK)],
                         idxbs[slot].at[pl.ds(0, _CHUNK)], isems[slot])

    def wait_idx(slot):
        pltpu.make_async_copy(idx_hbm.at[pl.ds(0, _CHUNK)],
                              idxbs[slot].at[pl.ds(0, _CHUNK)],
                              isems[slot]).wait()

    def prime(c, buf, slot):
        pltpu.async_copy(tblp_hbm.at[idxbs[slot].at[pl.ds(0, _GSPLIT)]],
                         bufs[buf].at[pl.ds(0, _GSPLIT)], gsems[buf])
        pltpu.async_copy(tblp_hbm.at[idxbs[slot].at[pl.ds(_GSPLIT,
                                                          _CHUNK - _GSPLIT)]],
                         bufs[buf].at[pl.ds(_GSPLIT, _CHUNK - _GSPLIT)],
                         gsems[buf])

    def drain_out():
        pltpu.make_async_copy(
            outb, out_hbm.at[pl.ds(0, _CHUNK)], osem).wait()

    def wait_gather(buf):
        pltpu.make_async_copy(
            tblp_hbm.at[pl.ds(0, _CHUNK)], bufs[buf], gsems[buf]).wait()

    def compute(buf):
        @plsc.parallel_loop(0, _CHUNK, unroll=_UNROLL)
        def _(r):
            for s in range(n_dsl):
                sl = pl.ds(s * _LANES, _LANES)
                outb[r, sl] = bufs[buf][r, sl] * scale + pos_v[r, sl]

    load_idx(0, 0)
    load_idx(1, 1)
    wait_idx(0)
    prime(0, 0, 0)

    def pair_body(i, _):
        for b in range(2):
            c = 2 * i + b
            nslot = 1 - b

            @pl.when(c + 1 < n_chunks)
            def _():
                wait_idx(nslot)
                prime(c + 1, 1 - b, nslot)

            wait_gather(b)

            @pl.when(c + 2 < n_chunks)
            def _():
                load_idx(c + 2, b)

            @pl.when(c >= 1)
            def _():
                drain_out()

            compute(b)
            pltpu.async_copy(
                outb, out_hbm.at[pl.ds(base + c * _CHUNK, _CHUNK)], osem)
        return 0

    lax.fori_loop(0, n_chunks // 2, pair_body, 0)
    drain_out()


def kernel(item_id, item_table, pos_table):
    batch, max_len = item_id.shape
    d = item_table.shape[1]
    n_flat = batch * max_len
    per_worker = n_flat // _NUM_WORKERS

    idx_flat = item_id.reshape(n_flat)
    tblp = jnp.pad(item_table, ((0, 0), (0, d)))

    mesh = plsc.VectorSubcoreMesh(core_axis_name="c", subcore_axis_name="s")
    body = functools.partial(_embed_body, max_len, per_worker)
    out = pl.kernel(
        body,
        out_type=jax.ShapeDtypeStruct((n_flat, d), jnp.float32),
        scratch_types=[
            pltpu.VMEM((_IBUF,), jnp.int32),
            pltpu.VMEM((_IBUF,), jnp.int32),
            pltpu.VMEM((_CHUNK, 2 * d), jnp.float32),
            pltpu.VMEM((_CHUNK, 2 * d), jnp.float32),
            pltpu.VMEM((_CHUNK, d), jnp.float32),
            pltpu.VMEM((max_len, d), jnp.float32),
            pltpu.SemaphoreType.DMA,
            pltpu.SemaphoreType.DMA,
            pltpu.SemaphoreType.DMA,
            pltpu.SemaphoreType.DMA,
            pltpu.SemaphoreType.DMA,
        ],
        mesh=mesh,
    )(idx_flat, tblp, pos_table)
    return out.reshape(batch, max_len, d)

# --- scband reference (transcript-rebuilt; emitter-appended) ---
"""Pipeline reference for scband-sas-rec-embedding-25804163514407 (READ-ONLY COPY).

The authoritative reference and input builder live on the scoring server;
editing this copy changes nothing except your own understanding.
"""

import jax, jax.numpy as jnp
import numpy as np

VOCAB = 1000000
EMBED_DIM = 64
MAX_LEN = 200
BATCH = 4096
PADDING_IDX = 0


def setup_inputs(seed: int = 0) -> dict:
    key = jax.random.key(seed)
    k_idx, k_item, k_pos = jax.random.split(key, 3)
    item_id = jax.random.randint(k_idx, (BATCH, MAX_LEN), 0, VOCAB, dtype=jnp.int64 if jax.config.jax_enable_x64 else jnp.int32).astype(jnp.int32)
    item_table = jax.random.normal(k_item, (VOCAB, EMBED_DIM), dtype=jnp.float32) * 0.02
    # padding row is zeroed (torch padding_idx semantics)
    item_table = item_table.at[PADDING_IDX].set(0.0)
    pos_table = jax.random.normal(k_pos, (MAX_LEN, EMBED_DIM), dtype=jnp.float32) * 0.02
    return {"item_id": item_id, "item_table": item_table, "pos_table": pos_table}


def reference(item_id, item_table, pos_table):
    # SasRecEmbedding.forward (dropout is identity in eval mode):
    # seqs = item_emb(ids) * sqrt(embedding_dim)
    embedding_dim = item_table.shape[1]
    seqs = jnp.take(item_table, item_id, axis=0) * (embedding_dim ** 0.5)
    # seqs += positional embedding weight broadcast over batch
    seqs = seqs + pos_table[None, :, :]
    return seqs

if __name__ == "__main__":
    import jax
    _d = setup_inputs()
    print(jax.jit(kernel)(*tuple(_d.values())))

</pallas_src>

<mosaic_0001>
#map = affine_map<(d0, d1) -> (0)>
#map1 = affine_map<(d0, d1) -> (0, 0)>
module attributes {stable_mosaic.version = 14 : i64} {
  func.func @_embed_body(%arg0: i32, %arg1: i32, %arg2: memref<819200xi32, #tpu.memory_space<hbm>>, %arg3: memref<1000000x128xf32, #tpu.memory_space<hbm>>, %arg4: memref<200x64xf32, #tpu.memory_space<hbm>>, %arg5: memref<819200x64xf32, #tpu.memory_space<hbm>>, %arg6: memref<208xi32, #tpu.memory_space<vmem>>, %arg7: memref<208xi32, #tpu.memory_space<vmem>>, %arg8: memref<200x128xf32, #tpu.memory_space<vmem>>, %arg9: memref<200x128xf32, #tpu.memory_space<vmem>>, %arg10: memref<200x64xf32, #tpu.memory_space<vmem>>, %arg11: memref<200x64xf32, #tpu.memory_space<vmem>>, %arg12: memref<!tpu.dma_semaphore, #tpu.memory_space<semaphore_mem>>, %arg13: memref<!tpu.dma_semaphore, #tpu.memory_space<semaphore_mem>>, %arg14: memref<!tpu.dma_semaphore, #tpu.memory_space<semaphore_mem>>, %arg15: memref<!tpu.dma_semaphore, #tpu.memory_space<semaphore_mem>>, %arg16: memref<!tpu.dma_semaphore, #tpu.memory_space<semaphore_mem>>) attributes {dimension_semantics = [#tpu.dimension_semantics<core_parallel>, #tpu.dimension_semantics<subcore_parallel>], iteration_bounds = array<i64: 2, 16>, scalar_prefetch = 0 : i64, scratch_operands = 11 : i64, tpu.core_type = #tpu.core_type<sc_vector_subcore>, window_params = [{transform_indices = #map}, {transform_indices = #map1}, {transform_indices = #map1}, {transform_indices = #map1}]} {
    %mul3A = arith.constant 2 : i32
    %mul3A_0 = arith.muli %arg1, %mul3A : i32
    %add3A = arith.addi %mul3A_0, %arg0 : i32
    %mul3A_1 = arith.constant 25600 : i32
    %mul3A_2 = arith.muli %add3A, %mul3A_1 : i32
    "tpu.region"() ({
      %run_scoped3A = tpu.sem_alloc : memref<!tpu.dma_semaphore, #tpu.memory_space<semaphore_mem>>
      tpu.enqueue_dma source(%arg4 : memref<200x64xf32, #tpu.memory_space<hbm>>) target(%arg11 : memref<200x64xf32, #tpu.memory_space<vmem>>) target_semaphore(%run_scoped3A : memref<!tpu.dma_semaphore, #tpu.memory_space<semaphore_mem>>)
      tpu.wait_dma2 semaphore(%run_scoped3A : memref<!tpu.dma_semaphore, #tpu.memory_space<semaphore_mem>>) src(%arg4 : memref<200x64xf32, #tpu.memory_space<hbm>>) dst(%arg11 : memref<200x64xf32, #tpu.memory_space<vmem>>)
      tpu.yield
    }) : () -> ()
    %add3A_3 = arith.constant 0 : i32
    %add3A_4 = arith.addi %mul3A_2, %add3A_3 : i32
    %dma_start3A = arith.constant 0 : i32
    %dma_start3A_5 = tpu.memref_slice %arg6[%dma_start3A] : memref<208xi32, #tpu.memory_space<vmem>> -> memref<200xi32, #tpu.memory_space<vmem>>
    %dma_start3A_6 = tpu.memref_slice %arg2[%add3A_4] : memref<819200xi32, #tpu.memory_space<hbm>> -> memref<200xi32, #tpu.memory_space<hbm>>
    %dma_start3A_7 = arith.constant 0 : i32
    %dma_start3A_8 = tpu.memref_slice %arg6[%dma_start3A_7] : memref<208xi32, #tpu.memory_space<vmem>> -> memref<200xi32, #tpu.memory_space<vmem>>
    %dma_start3A_9 = tpu.memref_slice %arg2[%add3A_4] : memref<819200xi32, #tpu.memory_space<hbm>> -> memref<200xi32, #tpu.memory_space<hbm>>
    tpu.enqueue_dma source(%dma_start3A_9 : memref<200xi32, #tpu.memory_space<hbm>>) target(%dma_start3A_8 : memref<200xi32, #tpu.memory_space<vmem>>) target_semaphore(%arg12 : memref<!tpu.dma_semaphore, #tpu.memory_space<semaphore_mem>>)
    %add3A_10 = arith.constant 200 : i32
    %add3A_11 = arith.addi %mul3A_2, %add3A_10 : i32
    %dma_start3A_12 = arith.constant 0 : i32
    %dma_start3A_13 = tpu.memref_slice %arg7[%dma_start3A_12] : memref<208xi32, #tpu.memory_space<vmem>> -> memref<200xi32, #tpu.memory_space<vmem>>
    %dma_start3A_14 = tpu.memref_slice %arg2[%add3A_11] : memref<819200xi32, #tpu.memory_space<hbm>> -> memref<200xi32, #tpu.memory_space<hbm>>
    %dma_start3A_15 = arith.constant 0 : i32
    %dma_start3A_16 = tpu.memref_slice %arg7[%dma_start3A_15] : memref<208xi32, #tpu.memory_space<vmem>> -> memref<200xi32, #tpu.memory_space<vmem>>
    %dma_start3A_17 = tpu.memref_slice %arg2[%add3A_11] : memref<819200xi32, #tpu.memory_space<hbm>> -> memref<200xi32, #tpu.memory_space<hbm>>
    tpu.enqueue_dma source(%dma_start3A_17 : memref<200xi32, #tpu.memory_space<hbm>>) target(%dma_start3A_16 : memref<200xi32, #tpu.memory_space<vmem>>) target_semaphore(%arg13 : memref<!tpu.dma_semaphore, #tpu.memory_space<semaphore_mem>>)
    %dma_wait3A = arith.constant 0 : i32
    %dma_wait3A_18 = tpu.memref_slice %arg6[%dma_wait3A] : memref<208xi32, #tpu.memory_space<vmem>> -> memref<200xi32, #tpu.memory_space<vmem>>
    %dma_wait3A_19 = arith.constant 0 : i32
    %dma_wait3A_20 = tpu.memref_slice %arg2[%dma_wait3A_19] : memref<819200xi32, #tpu.memory_space<hbm>> -> memref<200xi32, #tpu.memory_space<hbm>>
    %dma_wait3A_21 = arith.constant 0 : i32
    %dma_wait3A_22 = tpu.memref_slice %arg6[%dma_wait3A_21] : memref<208xi32, #tpu.memory_space<vmem>> -> memref<200xi32, #tpu.memory_space<vmem>>
    %dma_wait3A_23 = arith.constant 0 : i32
    %dma_wait3A_24 = tpu.memref_slice %arg2[%dma_wait3A_23] : memref<819200xi32, #tpu.memory_space<hbm>> -> memref<200xi32, #tpu.memory_space<hbm>>
    tpu.wait_dma2 semaphore(%arg12 : memref<!tpu.dma_semaphore, #tpu.memory_space<semaphore_mem>>) src(%dma_wait3A_24 : memref<200xi32, #tpu.memory_space<hbm>>) dst(%dma_wait3A_22 : memref<200xi32, #tpu.memory_space<vmem>>)
    %dma_start3A_25 = arith.constant 0 : i32
    %dma_start3A_26 = arith.constant 0 : i32
    %dma_start3A_27 = tpu.memref_slice %arg8[%dma_start3A_25, %dma_start3A_26] : memref<200x128xf32, #tpu.memory_space<vmem>> -> memref<128x128xf32, #tpu.memory_space<vmem>>
    %dma_start3A_28 = arith.constant 0 : i32
    %dma_start3A_29 = tpu.memref_slice %arg6[%dma_start3A_28] : memref<208xi32, #tpu.memory_space<vmem>> -> memref<128xi32, #tpu.memory_space<vmem>>
    %dma_start3A_30 = arith.constant 0 : i32
    %dma_start3A_31 = arith.constant 0 : i32
    %dma_start3A_32 = tpu.memref_slice %arg3[%dma_start3A_30, %dma_start3A_31] : memref<1000000x128xf32, #tpu.memory_space<hbm>> -> memref<1000000x128xf32, #tpu.memory_space<hbm>>
    tpu.enqueue_indirect_dma source(%dma_start3A_32 : memref<1000000x128xf32, #tpu.memory_space<hbm>>) target(%dma_start3A_27 : memref<128x128xf32, #tpu.memory_space<vmem>>) offsets(%dma_start3A_29 : memref<128xi32, #tpu.memory_space<vmem>>) semaphore(%arg14 : memref<!tpu.dma_semaphore, #tpu.memory_space<semaphore_mem>>)
    %dma_start3A_33 = arith.constant 128 : i32
    %dma_start3A_34 = arith.constant 0 : i32
    %dma_start3A_35 = tpu.memref_slice %arg8[%dma_start3A_33, %dma_start3A_34] : memref<200x128xf32, #tpu.memory_space<vmem>> -> memref<72x128xf32, #tpu.memory_space<vmem>>
    %dma_start3A_36 = arith.constant 128 : i32
    %dma_start3A_37 = tpu.memref_slice %arg6[%dma_start3A_36] : memref<208xi32, #tpu.memory_space<vmem>> -> memref<72xi32, #tpu.memory_space<vmem>>
    %dma_start3A_38 = arith.constant 0 : i32
    %dma_start3A_39 = arith.constant 0 : i32
    %dma_start3A_40 = tpu.memref_slice %arg3[%dma_start3A_38, %dma_start3A_39] : memref<1000000x128xf32, #tpu.memory_space<hbm>> -> memref<1000000x128xf32, #tpu.memory_space<hbm>>
    tpu.enqueue_indirect_dma source(%dma_start3A_40 : memref<1000000x128xf32, #tpu.memory_space<hbm>>) target(%dma_start3A_35 : memref<72x128xf32, #tpu.memory_space<vmem>>) offsets(%dma_start3A_37 : memref<72xi32, #tpu.memory_space<vmem>>) semaphore(%arg14 : memref<!tpu.dma_semaphore, #tpu.memory_space<semaphore_mem>>)
    %scan3A = arith.constant 8.000000e+00 : f32
    %scan3A_41 = arith.constant 0 : i32
    %scan3A_42 = arith.constant 0 : i32
    %scan3A_43 = arith.constant 64 : i32
    %scan3A_44 = arith.addi %scan3A_42, %scan3A_43 : i32
    %scan3A_45 = arith.constant 1 : i32
    %scan3A_46 = scf.for %scan3A_54 = %scan3A_42 to %scan3A_44 step %scan3A_45 iter_args(%scan3A_55 = %scan3A_41) -> (i32)  : i32 {
      %mul3A_56 = arith.constant 2 : i32
      %mul3A_57 = arith.muli %mul3A_56, %scan3A_54 : i32
      %add3A_58 = arith.constant 0 : i32
      %add3A_59 = arith.addi %mul3A_57, %add3A_58 : i32
      %add3A_60 = arith.constant 1 : i32
      %add3A_61 = arith.addi %add3A_59, %add3A_60 : i32
      %lt3A = arith.constant 128 : i32
      %lt3A_62 = arith.cmpi slt, %add3A_61, %lt3A : i32
      %convert_element_type3A = arith.extui %lt3A_62 : i1 to i32
      %cond3A = arith.constant 0 : i32
      %cond3A_63 = arith.cmpi ne, %convert_element_type3A, %cond3A : i32
      scf.if %cond3A_63 {
        %dma_wait3A_130 = arith.constant 0 : i32
        %dma_wait3A_131 = tpu.memref_slice %arg7[%dma_wait3A_130] : memref<208xi32, #tpu.memory_space<vmem>> -> memref<200xi32, #tpu.memory_space<vmem>>
        %dma_wait3A_132 = arith.constant 0 : i32
        %dma_wait3A_133 = tpu.memref_slice %arg2[%dma_wait3A_132] : memref<819200xi32, #tpu.memory_space<hbm>> -> memref<200xi32, #tpu.memory_space<hbm>>
        %dma_wait3A_134 = arith.constant 0 : i32
        %dma_wait3A_135 = tpu.memref_slice %arg7[%dma_wait3A_134] : memref<208xi32, #tpu.memory_space<vmem>> -> memref<200xi32, #tpu.memory_space<vmem>>
        %dma_wait3A_136 = arith.constant 0 : i32
        %dma_wait3A_137 = tpu.memref_slice %arg2[%dma_wait3A_136] : memref<819200xi32, #tpu.memory_space<hbm>> -> memref<200xi32, #tpu.memory_space<hbm>>
        tpu.wait_dma2 semaphore(%arg13 : memref<!tpu.dma_semaphore, #tpu.memory_space<semaphore_mem>>) src(%dma_wait3A_137 : memref<200xi32, #tpu.memory_space<hbm>>) dst(%dma_wait3A_135 : memref<200xi32, #tpu.memory_space<vmem>>)
        %add3A_138 = arith.constant 1 : i32
        %add3A_139 = arith.addi %add3A_59, %add3A_138 : i32
        %dma_start3A_140 = arith.constant 0 : i32
        %dma_start3A_141 = arith.constant 0 : i32
        %dma_start3A_142 = tpu.memref_slice %arg9[%dma_start3A_140, %dma_start3A_141] : memref<200x128xf32, #tpu.memory_space<vmem>> -> memref<128x128xf32, #tpu.memory_space<vmem>>
        %dma_start3A_143 = arith.constant 0 : i32
        %dma_start3A_144 = tpu.memref_slice %arg7[%dma_start3A_143] : memref<208xi32, #tpu.memory_space<vmem>> -> memref<128xi32, #tpu.memory_space<vmem>>
        %dma_start3A_145 = arith.constant 0 : i32
        %dma_start3A_146 = arith.constant 0 : i32
        %dma_start3A_147 = tpu.memref_slice %arg3[%dma_start3A_145, %dma_start3A_146] : memref<1000000x128xf32, #tpu.memory_space<hbm>> -> memref<1000000x128xf32, #tpu.memory_space<hbm>>
        tpu.enqueue_indirect_dma source(%dma_start3A_147 : memref<1000000x128xf32, #tpu.memory_space<hbm>>) target(%dma_start3A_142 : memref<128x128xf32, #tpu.memory_space<vmem>>) offsets(%dma_start3A_144 : memref<128xi32, #tpu.memory_space<vmem>>) semaphore(%arg15 : memref<!tpu.dma_semaphore, #tpu.memory_space<semaphore_mem>>)
        %dma_start3A_148 = arith.constant 128 : i32
        %dma_start3A_149 = arith.constant 0 : i32
        %dma_start3A_150 = tpu.memref_slice %arg9[%dma_start3A_148, %dma_start3A_149] : memref<200x128xf32, #tpu.memory_space<vmem>> -> memref<72x128xf32, #tpu.memory_space<vmem>>
        %dma_start3A_151 = arith.constant 128 : i32
        %dma_start3A_152 = tpu.memref_slice %arg7[%dma_start3A_151] : memref<208xi32, #tpu.memory_space<vmem>> -> memref<72xi32, #tpu.memory_space<vmem>>
        %dma_start3A_153 = arith.constant 0 : i32
        %dma_start3A_154 = arith.constant 0 : i32
        %dma_start3A_155 = tpu.memref_slice %arg3[%dma_start3A_153, %dma_start3A_154] : memref<1000000x128xf32, #tpu.memory_space<hbm>> -> memref<1000000x128xf32, #tpu.memory_space<hbm>>
        tpu.enqueue_indirect_dma source(%dma_start3A_155 : memref<1000000x128xf32, #tpu.memory_space<hbm>>) target(%dma_start3A_150 : memref<72x128xf32, #tpu.memory_space<vmem>>) offsets(%dma_start3A_152 : memref<72xi32, #tpu.memory_space<vmem>>) semaphore(%arg15 : memref<!tpu.dma_semaphore, #tpu.memory_space<semaphore_mem>>)
      } else {
      }
      %dma_wait3A_64 = arith.constant 0 : i32
      %dma_wait3A_65 = arith.constant 0 : i32
      %dma_wait3A_66 = tpu.memref_slice %arg3[%dma_wait3A_64, %dma_wait3A_65] : memref<1000000x128xf32, #tpu.memory_space<hbm>> -> memref<200x128xf32, #tpu.memory_space<hbm>>
      %dma_wait3A_67 = arith.constant 0 : i32
      %dma_wait3A_68 = arith.constant 0 : i32
      %dma_wait3A_69 = tpu.memref_slice %arg3[%dma_wait3A_67, %dma_wait3A_68] : memref<1000000x128xf32, #tpu.memory_space<hbm>> -> memref<200x128xf32, #tpu.memory_space<hbm>>
      tpu.wait_dma2 semaphore(%arg14 : memref<!tpu.dma_semaphore, #tpu.memory_space<semaphore_mem>>) src(%dma_wait3A_69 : memref<200x128xf32, #tpu.memory_space<hbm>>) dst(%arg8 : memref<200x128xf32, #tpu.memory_space<vmem>>)
      %add3A_70 = arith.constant 2 : i32
      %add3A_71 = arith.addi %add3A_59, %add3A_70 : i32
      %lt3A_72 = arith.constant 128 : i32
      %lt3A_73 = arith.cmpi slt, %add3A_71, %lt3A_72 : i32
      %convert_element_type3A_74 = arith.extui %lt3A_73 : i1 to i32
      %cond3A_75 = arith.constant 0 : i32
      %cond3A_76 = arith.cmpi ne, %convert_element_type3A_74, %cond3A_75 : i32
      scf.if %cond3A_76 {
        %add3A_130 = arith.constant 2 : i32
        %add3A_131 = arith.addi %add3A_59, %add3A_130 : i32
        %mul3A_132 = arith.constant 200 : i32
        %mul3A_133 = arith.muli %add3A_131, %mul3A_132 : i32
        %add3A_134 = arith.addi %mul3A_2, %mul3A_133 : i32
        %dma_start3A_135 = arith.constant 0 : i32
        %dma_start3A_136 = tpu.memref_slice %arg6[%dma_start3A_135] : memref<208xi32, #tpu.memory_space<vmem>> -> memref<200xi32, #tpu.memory_space<vmem>>
        %dma_start3A_137 = tpu.memref_slice %arg2[%add3A_134] : memref<819200xi32, #tpu.memory_space<hbm>> -> memref<200xi32, #tpu.memory_space<hbm>>
        %dma_start3A_138 = arith.constant 0 : i32
        %dma_start3A_139 = tpu.memref_slice %arg6[%dma_start3A_138] : memref<208xi32, #tpu.memory_space<vmem>> -> memref<200xi32, #tpu.memory_space<vmem>>
        %dma_start3A_140 = tpu.memref_slice %arg2[%add3A_134] : memref<819200xi32, #tpu.memory_space<hbm>> -> memref<200xi32, #tpu.memory_space<hbm>>
        tpu.enqueue_dma source(%dma_start3A_140 : memref<200xi32, #tpu.memory_space<hbm>>) target(%dma_start3A_139 : memref<200xi32, #tpu.memory_space<vmem>>) target_semaphore(%arg12 : memref<!tpu.dma_semaphore, #tpu.memory_space<semaphore_mem>>)
      } else {
      }
      %ge3A = arith.constant 1 : i32
      %ge3A_77 = arith.cmpi sge, %add3A_59, %ge3A : i32
      %convert_element_type3A_78 = arith.extui %ge3A_77 : i1 to i32
      %cond3A_79 = arith.constant 0 : i32
      %cond3A_80 = arith.cmpi ne, %convert_element_type3A_78, %cond3A_79 : i32
      scf.if %cond3A_80 {
        %dma_wait3A_130 = arith.constant 0 : i32
        %dma_wait3A_131 = arith.constant 0 : i32
        %dma_wait3A_132 = tpu.memref_slice %arg5[%dma_wait3A_130, %dma_wait3A_131] : memref<819200x64xf32, #tpu.memory_space<hbm>> -> memref<200x64xf32, #tpu.memory_space<hbm>>
        %dma_wait3A_133 = arith.constant 0 : i32
        %dma_wait3A_134 = arith.constant 0 : i32
        %dma_wait3A_135 = tpu.memref_slice %arg5[%dma_wait3A_133, %dma_wait3A_134] : memref<819200x64xf32, #tpu.memory_space<hbm>> -> memref<200x64xf32, #tpu.memory_space<hbm>>
        tpu.wait_dma2 semaphore(%arg16 : memref<!tpu.dma_semaphore, #tpu.memory_space<semaphore_mem>>) src(%arg10 : memref<200x64xf32, #tpu.memory_space<vmem>>) dst(%dma_wait3A_135 : memref<200x64xf32, #tpu.memory_space<hbm>>)
      } else {
      }
      %parallel_loop3A = arith.constant 0 : i32
      %parallel_loop3A_81 = arith.constant 200 : i32
      %parallel_loop3A_82 = arith.constant 1 : i32
      scf.for %parallel_loop3A_130 = %parallel_loop3A to %parallel_loop3A_81 step %parallel_loop3A_82  : i32 {
        %parallel_loop3A_131 = arith.index_cast %parallel_loop3A_130 : i32 to index
        %parallel_loop3A_132 = arith.constant 0 : index
        %parallel_loop3A_133 = tpu.vector_load %arg8[%parallel_loop3A_131, %parallel_loop3A_132] {strides = array<i32>} : memref<200x128xf32, #tpu.memory_space<vmem>>, vector<1x16xf32>,
        %parallel_loop3A_134 = vector.shape_cast %parallel_loop3A_133 : vector<1x16xf32> to vector<16xf32>
        %parallel_loop3A_135 = vector.broadcast %scan3A : f32 to vector<16xf32>
        %parallel_loop3A_136 = arith.mulf %parallel_loop3A_134, %parallel_loop3A_135 : vector<16xf32>
        %parallel_loop3A_137 = arith.index_cast %parallel_loop3A_130 : i32 to index
        %parallel_loop3A_138 = arith.constant 0 : index
        %parallel_loop3A_139 = tpu.vector_load %arg11[%parallel_loop3A_137, %parallel_loop3A_138] {strides = array<i32>} : memref<200x64xf32, #tpu.memory_space<vmem>>, vector<1x16xf32>,
        %parallel_loop3A_140 = vector.shape_cast %parallel_loop3A_139 : vector<1x16xf32> to vector<16xf32>
        %parallel_loop3A_141 = arith.addf %parallel_loop3A_136, %parallel_loop3A_140 : vector<16xf32>
        %parallel_loop3A_142 = arith.index_cast %parallel_loop3A_130 : i32 to index
        %parallel_loop3A_143 = arith.constant 0 : index
        %parallel_loop3A_144 = tpu.vector_load %arg10[%parallel_loop3A_142, %parallel_loop3A_143] {strides = array<i32>} : memref<200x64xf32, #tpu.memory_space<vmem>>, vector<1x16xf32>,
        %parallel_loop3A_145 = vector.shape_cast %parallel_loop3A_144 : vector<1x16xf32> to vector<16xf32>
        %parallel_loop3A_146 = vector.shape_cast %parallel_loop3A_141 : vector<16xf32> to vector<1x16xf32>
        tpu.vector_store %arg10[%parallel_loop3A_142, %parallel_loop3A_143], %parallel_loop3A_146 {strides = array<i32>} : memref<200x64xf32, #tpu.memory_space<vmem>>, vector<1x16xf32>,
        %parallel_loop3A_147 = arith.index_cast %parallel_loop3A_130 : i32 to index
        %parallel_loop3A_148 = arith.constant 16 : index
        %parallel_loop3A_149 = tpu.vector_load %arg8[%parallel_loop3A_147, %parallel_loop3A_148] {strides = array<i32>} : memref<200x128xf32, #tpu.memory_space<vmem>>, vector<1x16xf32>,
        %parallel_loop3A_150 = vector.shape_cast %parallel_loop3A_149 : vector<1x16xf32> to vector<16xf32>
        %parallel_loop3A_151 = vector.broadcast %scan3A : f32 to vector<16xf32>
        %parallel_loop3A_152 = arith.mulf %parallel_loop3A_150, %parallel_loop3A_151 : vector<16xf32>
        %parallel_loop3A_153 = arith.index_cast %parallel_loop3A_130 : i32 to index
        %parallel_loop3A_154 = arith.constant 16 : index
        %parallel_loop3A_155 = tpu.vector_load %arg11[%parallel_loop3A_153, %parallel_loop3A_154] {strides = array<i32>} : memref<200x64xf32, #tpu.memory_space<vmem>>, vector<1x16xf32>,
        %parallel_loop3A_156 = vector.shape_cast %parallel_loop3A_155 : vector<1x16xf32> to vector<16xf32>
        %parallel_loop3A_157 = arith.addf %parallel_loop3A_152, %parallel_loop3A_156 : vector<16xf32>
        %parallel_loop3A_158 = arith.index_cast %parallel_loop3A_130 : i32 to index
        %parallel_loop3A_159 = arith.constant 16 : index
        %parallel_loop3A_160 = tpu.vector_load %arg10[%parallel_loop3A_158, %parallel_loop3A_159] {strides = array<i32>} : memref<200x64xf32, #tpu.memory_space<vmem>>, vector<1x16xf32>,
        %parallel_loop3A_161 = vector.shape_cast %parallel_loop3A_160 : vector<1x16xf32> to vector<16xf32>
        %parallel_loop3A_162 = vector.shape_cast %parallel_loop3A_157 : vector<16xf32> to vector<1x16xf32>
        tpu.vector_store %arg10[%parallel_loop3A_158, %parallel_loop3A_159], %parallel_loop3A_162 {strides = array<i32>} : memref<200x64xf32, #tpu.memory_space<vmem>>, vector<1x16xf32>,
        %parallel_loop3A_163 = arith.index_cast %parallel_loop3A_130 : i32 to index
        %parallel_loop3A_164 = arith.constant 32 : index
        %parallel_loop3A_165 = tpu.vector_load %arg8[%parallel_loop3A_163, %parallel_loop3A_164] {strides = array<i32>} : memref<200x128xf32, #tpu.memory_space<vmem>>, vector<1x16xf32>,
        %parallel_loop3A_166 = vector.shape_cast %parallel_loop3A_165 : vector<1x16xf32> to vector<16xf32>
        %parallel_loop3A_167 = vector.broadcast %scan3A : f32 to vector<16xf32>
        %parallel_loop3A_168 = arith.mulf %parallel_loop3A_166, %parallel_loop3A_167 : vector<16xf32>
        %parallel_loop3A_169 = arith.index_cast %parallel_loop3A_130 : i32 to index
        %parallel_loop3A_170 = arith.constant 32 : index
        %parallel_loop3A_171 = tpu.vector_load %arg11[%parallel_loop3A_169, %parallel_loop3A_170] {strides = array<i32>} : memref<200x64xf32, #tpu.memory_space<vmem>>, vector<1x16xf32>,
        %parallel_loop3A_172 = vector.shape_cast %parallel_loop3A_171 : vector<1x16xf32> to vector<16xf32>
        %parallel_loop3A_173 = arith.addf %parallel_loop3A_168, %parallel_loop3A_172 : vector<16xf32>
        %parallel_loop3A_174 = arith.index_cast %parallel_loop3A_130 : i32 to index
        %parallel_loop3A_175 = arith.constant 32 : index
        %parallel_loop3A_176 = tpu.vector_load %arg10[%parallel_loop3A_174, %parallel_loop3A_175] {strides = array<i32>} : memref<200x64xf32, #tpu.memory_space<vmem>>, vector<1x16xf32>,
        %parallel_loop3A_177 = vector.shape_cast %parallel_loop3A_176 : vector<1x16xf32> to vector<16xf32>
        %parallel_loop3A_178 = vector.shape_cast %parallel_loop3A_173 : vector<16xf32> to vector<1x16xf32>
        tpu.vector_store %arg10[%parallel_loop3A_174, %parallel_loop3A_175], %parallel_loop3A_178 {strides = array<i32>} : memref<200x64xf32, #tpu.memory_space<vmem>>, vector<1x16xf32>,
        %parallel_loop3A_179 = arith.index_cast %parallel_loop3A_130 : i32 to index
        %parallel_loop3A_180 = arith.constant 48 : index
        %parallel_loop3A_181 = tpu.vector_load %arg8[%parallel_loop3A_179, %parallel_loop3A_180] {strides = array<i32>} : memref<200x128xf32, #tpu.memory_space<vmem>>, vector<1x16xf32>,
        %parallel_loop3A_182 = vector.shape_cast %parallel_loop3A_181 : vector<1x16xf32> to vector<16xf32>
        %parallel_loop3A_183 = vector.broadcast %scan3A : f32 to vector<16xf32>
        %parallel_loop3A_184 = arith.mulf %parallel_loop3A_182, %parallel_loop3A_183 : vector<16xf32>
        %parallel_loop3A_185 = arith.index_cast %parallel_loop3A_130 : i32 to index
        %parallel_loop3A_186 = arith.constant 48 : index
        %parallel_loop3A_187 = tpu.vector_load %arg11[%parallel_loop3A_185, %parallel_loop3A_186] {strides = array<i32>} : memref<200x64xf32, #tpu.memory_space<vmem>>, vector<1x16xf32>,
        %parallel_loop3A_188 = vector.shape_cast %parallel_loop3A_187 : vector<1x16xf32> to vector<16xf32>
        %parallel_loop3A_189 = arith.addf %parallel_loop3A_184, %parallel_loop3A_188 : vector<16xf32>
        %parallel_loop3A_190 = arith.index_cast %parallel_loop3A_130 : i32 to index
        %parallel_loop3A_191 = arith.constant 48 : index
        %parallel_loop3A_192 = tpu.vector_load %arg10[%parallel_loop3A_190, %parallel_loop3A_191] {strides = array<i32>} : memref<200x64xf32, #tpu.memory_space<vmem>>, vector<1x16xf32>,
        %parallel_loop3A_193 = vector.shape_cast %parallel_loop3A_192 : vector<1x16xf32> to vector<16xf32>
        %parallel_loop3A_194 = vector.shape_cast %parallel_loop3A_189 : vector<16xf32> to vector<1x16xf32>
        tpu.vector_store %arg10[%parallel_loop3A_190, %parallel_loop3A_191], %parallel_loop3A_194 {strides = array<i32>} : memref<200x64xf32, #tpu.memory_space<vmem>>, vector<1x16xf32>,
      } {sc.loop_unroll_factor = 8 : i64, sc.parallel_access}
      %mul3A_83 = arith.constant 200 : i32
      %mul3A_84 = arith.muli %add3A_59, %mul3A_83 : i32
      %add3A_85 = arith.addi %mul3A_2, %mul3A_84 : i32
      %dma_start3A_86 = arith.constant 0 : i32
      %dma_start3A_87 = tpu.memref_slice %arg5[%add3A_85, %dma_start3A_86] : memref<819200x64xf32, #tpu.memory_space<hbm>> -> memref<200x64xf32, #tpu.memory_space<hbm>>
      %dma_start3A_88 = arith.constant 0 : i32
      %dma_start3A_89 = tpu.memref_slice %arg5[%add3A_85, %dma_start3A_88] : memref<819200x64xf32, #tpu.memory_space<hbm>> -> memref<200x64xf32, #tpu.memory_space<hbm>>
      tpu.enqueue_dma source(%arg10 : memref<200x64xf32, #tpu.memory_space<vmem>>) target(%dma_start3A_89 : memref<200x64xf32, #tpu.memory_space<hbm>>) target_semaphore(%arg16 : memref<!tpu.dma_semaphore, #tpu.memory_space<semaphore_mem>>)
      %mul3A_90 = arith.constant 2 : i32
      %mul3A_91 = arith.muli %mul3A_90, %scan3A_54 : i32
      %add3A_92 = arith.constant 1 : i32
      %add3A_93 = arith.addi %mul3A_91, %add3A_92 : i32
      %add3A_94 = arith.constant 1 : i32
      %add3A_95 = arith.addi %add3A_93, %add3A_94 : i32
      %lt3A_96 = arith.constant 128 : i32
      %lt3A_97 = arith.cmpi slt, %add3A_95, %lt3A_96 : i32
      %convert_element_type3A_98 = arith.extui %lt3A_97 : i1 to i32
      %cond3A_99 = arith.constant 0 : i32
      %cond3A_100 = arith.cmpi ne, %convert_element_type3A_98, %cond3A_99 : i32
      scf.if %cond3A_100 {
        %dma_wait3A_130 = arith.constant 0 : i32
        %dma_wait3A_131 = tpu.memref_slice %arg6[%dma_wait3A_130] : memref<208xi32, #tpu.memory_space<vmem>> -> memref<200xi32, #tpu.memory_space<vmem>>
        %dma_wait3A_132 = arith.constant 0 : i32
        %dma_wait3A_133 = tpu.memref_slice %arg2[%dma_wait3A_132] : memref<819200xi32, #tpu.memory_space<hbm>> -> memref<200xi32, #tpu.memory_space<hbm>>
        %dma_wait3A_134 = arith.constant 0 : i32
        %dma_wait3A_135 = tpu.memref_slice %arg6[%dma_wait3A_134] : memref<208xi32, #tpu.memory_space<vmem>> -> memref<200xi32, #tpu.memory_space<vmem>>
        %dma_wait3A_136 = arith.constant 0 : i32
        %dma_wait3A_137 = tpu.memref_slice %arg2[%dma_wait3A_136] : memref<819200xi32, #tpu.memory_space<hbm>> -> memref<200xi32, #tpu.memory_space<hbm>>
        tpu.wait_dma2 semaphore(%arg12 : memref<!tpu.dma_semaphore, #tpu.memory_space<semaphore_mem>>) src(%dma_wait3A_137 : memref<200xi32, #tpu.memory_space<hbm>>) dst(%dma_wait3A_135 : memref<200xi32, #tpu.memory_space<vmem>>)
        %add3A_138 = arith.constant 1 : i32
        %add3A_139 = arith.addi %add3A_93, %add3A_138 : i32
        %dma_start3A_140 = arith.constant 0 : i32
        %dma_start3A_141 = arith.constant 0 : i32
        %dma_start3A_142 = tpu.memref_slice %arg8[%dma_start3A_140, %dma_start3A_141] : memref<200x128xf32, #tpu.memory_space<vmem>> -> memref<128x128xf32, #tpu.memory_space<vmem>>
        %dma_start3A_143 = arith.constant 0 : i32
        %dma_start3A_144 = tpu.memref_slice %arg6[%dma_start3A_143] : memref<208xi32, #tpu.memory_space<vmem>> -> memref<128xi32, #tpu.memory_space<vmem>>
        %dma_start3A_145 = arith.constant 0 : i32
        %dma_start3A_146 = arith.constant 0 : i32
        %dma_start3A_147 = tpu.memref_slice %arg3[%dma_start3A_145, %dma_start3A_146] : memref<1000000x128xf32, #tpu.memory_space<hbm>> -> memref<1000000x128xf32, #tpu.memory_space<hbm>>
        tpu.enqueue_indirect_dma source(%dma_start3A_147 : memref<1000000x128xf32, #tpu.memory_space<hbm>>) target(%dma_start3A_142 : memref<128x128xf32, #tpu.memory_space<vmem>>) offsets(%dma_start3A_144 : memref<128xi32, #tpu.memory_space<vmem>>) semaphore(%arg14 : memref<!tpu.dma_semaphore, #tpu.memory_space<semaphore_mem>>)
        %dma_start3A_148 = arith.constant 128 : i32
        %dma_start3A_149 = arith.constant 0 : i32
        %dma_start3A_150 = tpu.memref_slice %arg8[%dma_start3A_148, %dma_start3A_149] : memref<200x128xf32, #tpu.memory_space<vmem>> -> memref<72x128xf32, #tpu.memory_space<vmem>>
        %dma_start3A_151 = arith.constant 128 : i32
        %dma_start3A_152 = tpu.memref_slice %arg6[%dma_start3A_151] : memref<208xi32, #tpu.memory_space<vmem>> -> memref<72xi32, #tpu.memory_space<vmem>>
        %dma_start3A_153 = arith.constant 0 : i32
        %dma_start3A_154 = arith.constant 0 : i32
        %dma_start3A_155 = tpu.memref_slice %arg3[%dma_start3A_153, %dma_start3A_154] : memref<1000000x128xf32, #tpu.memory_space<hbm>> -> memref<1000000x128xf32, #tpu.memory_space<hbm>>
        tpu.enqueue_indirect_dma source(%dma_start3A_155 : memref<1000000x128xf32, #tpu.memory_space<hbm>>) target(%dma_start3A_150 : memref<72x128xf32, #tpu.memory_space<vmem>>) offsets(%dma_start3A_152 : memref<72xi32, #tpu.memory_space<vmem>>) semaphore(%arg14 : memref<!tpu.dma_semaphore, #tpu.memory_space<semaphore_mem>>)
      } else {
      }
      %dma_wait3A_101 = arith.constant 0 : i32
      %dma_wait3A_102 = arith.constant 0 : i32
      %dma_wait3A_103 = tpu.memref_slice %arg3[%dma_wait3A_101, %dma_wait3A_102] : memref<1000000x128xf32, #tpu.memory_space<hbm>> -> memref<200x128xf32, #tpu.memory_space<hbm>>
      %dma_wait3A_104 = arith.constant 0 : i32
      %dma_wait3A_105 = arith.constant 0 : i32
      %dma_wait3A_106 = tpu.memref_slice %arg3[%dma_wait3A_104, %dma_wait3A_105] : memref<1000000x128xf32, #tpu.memory_space<hbm>> -> memref<200x128xf32, #tpu.memory_space<hbm>>
      tpu.wait_dma2 semaphore(%arg15 : memref<!tpu.dma_semaphore, #tpu.memory_space<semaphore_mem>>) src(%dma_wait3A_106 : memref<200x128xf32, #tpu.memory_space<hbm>>) dst(%arg9 : memref<200x128xf32, #tpu.memory_space<vmem>>)
      %add3A_107 = arith.constant 2 : i32
      %add3A_108 = arith.addi %add3A_93, %add3A_107 : i32
      %lt3A_109 = arith.constant 128 : i32
      %lt3A_110 = arith.cmpi slt, %add3A_108, %lt3A_109 : i32
      %convert_element_type3A_111 = arith.extui %lt3A_110 : i1 to i32
      %cond3A_112 = arith.constant 0 : i32
      %cond3A_113 = arith.cmpi ne, %convert_element_type3A_111, %cond3A_112 : i32
      scf.if %cond3A_113 {
        %add3A_130 = arith.constant 2 : i32
        %add3A_131 = arith.addi %add3A_93, %add3A_130 : i32
        %mul3A_132 = arith.constant 200 : i32
        %mul3A_133 = arith.muli %add3A_131, %mul3A_132 : i32
        %add3A_134 = arith.addi %mul3A_2, %mul3A_133 : i32
        %dma_start3A_135 = arith.constant 0 : i32
        %dma_start3A_136 = tpu.memref_slice %arg7[%dma_start3A_135] : memref<208xi32, #tpu.memory_space<vmem>> -> memref<200xi32, #tpu.memory_space<vmem>>
        %dma_start3A_137 = tpu.memref_slice %arg2[%add3A_134] : memref<819200xi32, #tpu.memory_space<hbm>> -> memref<200xi32, #tpu.memory_space<hbm>>
        %dma_start3A_138 = arith.constant 0 : i32
        %dma_start3A_139 = tpu.memref_slice %arg7[%dma_start3A_138] : memref<208xi32, #tpu.memory_space<vmem>> -> memref<200xi32, #tpu.memory_space<vmem>>
        %dma_start3A_140 = tpu.memref_slice %arg2[%add3A_134] : memref<819200xi32, #tpu.memory_space<hbm>> -> memref<200xi32, #tpu.memory_space<hbm>>
        tpu.enqueue_dma source(%dma_start3A_140 : memref<200xi32, #tpu.memory_space<hbm>>) target(%dma_start3A_139 : memref<200xi32, #tpu.memory_space<vmem>>) target_semaphore(%arg13 : memref<!tpu.dma_semaphore, #tpu.memory_space<semaphore_mem>>)
      } else {
      }
      %ge3A_114 = arith.constant 1 : i32
      %ge3A_115 = arith.cmpi sge, %add3A_93, %ge3A_114 : i32
      %convert_element_type3A_116 = arith.extui %ge3A_115 : i1 to i32
      %cond3A_117 = arith.constant 0 : i32
      %cond3A_118 = arith.cmpi ne, %convert_element_type3A_116, %cond3A_117 : i32
      scf.if %cond3A_118 {
        %dma_wait3A_130 = arith.constant 0 : i32
        %dma_wait3A_131 = arith.constant 0 : i32
        %dma_wait3A_132 = tpu.memref_slice %arg5[%dma_wait3A_130, %dma_wait3A_131] : memref<819200x64xf32, #tpu.memory_space<hbm>> -> memref<200x64xf32, #tpu.memory_space<hbm>>
        %dma_wait3A_133 = arith.constant 0 : i32
        %dma_wait3A_134 = arith.constant 0 : i32
        %dma_wait3A_135 = tpu.memref_slice %arg5[%dma_wait3A_133, %dma_wait3A_134] : memref<819200x64xf32, #tpu.memory_space<hbm>> -> memref<200x64xf32, #tpu.memory_space<hbm>>
        tpu.wait_dma2 semaphore(%arg16 : memref<!tpu.dma_semaphore, #tpu.memory_space<semaphore_mem>>) src(%arg10 : memref<200x64xf32, #tpu.memory_space<vmem>>) dst(%dma_wait3A_135 : memref<200x64xf32, #tpu.memory_space<hbm>>)
      } else {
      }
      %parallel_loop3A_119 = arith.constant 0 : i32
      %parallel_loop3A_120 = arith.constant 200 : i32
      %parallel_loop3A_121 = arith.constant 1 : i32
      scf.for %parallel_loop3A_130 = %parallel_loop3A_119 to %parallel_loop3A_120 step %parallel_loop3A_121  : i32 {
        %parallel_loop3A_131 = arith.index_cast %parallel_loop3A_130 : i32 to index
        %parallel_loop3A_132 = arith.constant 0 : index
        %parallel_loop3A_133 = tpu.vector_load %arg9[%parallel_loop3A_131, %parallel_loop3A_132] {strides = array<i32>} : memref<200x128xf32, #tpu.memory_space<vmem>>, vector<1x16xf32>,
        %parallel_loop3A_134 = vector.shape_cast %parallel_loop3A_133 : vector<1x16xf32> to vector<16xf32>
        %parallel_loop3A_135 = vector.broadcast %scan3A : f32 to vector<16xf32>
        %parallel_loop3A_136 = arith.mulf %parallel_loop3A_134, %parallel_loop3A_135 : vector<16xf32>
        %parallel_loop3A_137 = arith.index_cast %parallel_loop3A_130 : i32 to index
        %parallel_loop3A_138 = arith.constant 0 : index
        %parallel_loop3A_139 = tpu.vector_load %arg11[%parallel_loop3A_137, %parallel_loop3A_138] {strides = array<i32>} : memref<200x64xf32, #tpu.memory_space<vmem>>, vector<1x16xf32>,
        %parallel_loop3A_140 = vector.shape_cast %parallel_loop3A_139 : vector<1x16xf32> to vector<16xf32>
        %parallel_loop3A_141 = arith.addf %parallel_loop3A_136, %parallel_loop3A_140 : vector<16xf32>
        %parallel_loop3A_142 = arith.index_cast %parallel_loop3A_130 : i32 to index
        %parallel_loop3A_143 = arith.constant 0 : index
        %parallel_loop3A_144 = tpu.vector_load %arg10[%parallel_loop3A_142, %parallel_loop3A_143] {strides = array<i32>} : memref<200x64xf32, #tpu.memory_space<vmem>>, vector<1x16xf32>,
        %parallel_loop3A_145 = vector.shape_cast %parallel_loop3A_144 : vector<1x16xf32> to vector<16xf32>
        %parallel_loop3A_146 = vector.shape_cast %parallel_loop3A_141 : vector<16xf32> to vector<1x16xf32>
        tpu.vector_store %arg10[%parallel_loop3A_142, %parallel_loop3A_143], %parallel_loop3A_146 {strides = array<i32>} : memref<200x64xf32, #tpu.memory_space<vmem>>, vector<1x16xf32>,
        %parallel_loop3A_147 = arith.index_cast %parallel_loop3A_130 : i32 to index
        %parallel_loop3A_148 = arith.constant 16 : index
        %parallel_loop3A_149 = tpu.vector_load %arg9[%parallel_loop3A_147, %parallel_loop3A_148] {strides = array<i32>} : memref<200x128xf32, #tpu.memory_space<vmem>>, vector<1x16xf32>,
        %parallel_loop3A_150 = vector.shape_cast %parallel_loop3A_149 : vector<1x16xf32> to vector<16xf32>
        %parallel_loop3A_151 = vector.broadcast %scan3A : f32 to vector<16xf32>
        %parallel_loop3A_152 = arith.mulf %parallel_loop3A_150, %parallel_loop3A_151 : vector<16xf32>
        %parallel_loop3A_153 = arith.index_cast %parallel_loop3A_130 : i32 to index
        %parallel_loop3A_154 = arith.constant 16 : index
        %parallel_loop3A_155 = tpu.vector_load %arg11[%parallel_loop3A_153, %parallel_loop3A_154] {strides = array<i32>} : memref<200x64xf32, #tpu.memory_space<vmem>>, vector<1x16xf32>,
        %parallel_loop3A_156 = vector.shape_cast %parallel_loop3A_155 : vector<1x16xf32> to vector<16xf32>
        %parallel_loop3A_157 = arith.addf %parallel_loop3A_152, %parallel_loop3A_156 : vector<16xf32>
        %parallel_loop3A_158 = arith.index_cast %parallel_loop3A_130 : i32 to index
        %parallel_loop3A_159 = arith.constant 16 : index
        %parallel_loop3A_160 = tpu.vector_load %arg10[%parallel_loop3A_158, %parallel_loop3A_159] {strides = array<i32>} : memref<200x64xf32, #tpu.memory_space<vmem>>, vector<1x16xf32>,
        %parallel_loop3A_161 = vector.shape_cast %parallel_loop3A_160 : vector<1x16xf32> to vector<16xf32>
        %parallel_loop3A_162 = vector.shape_cast %parallel_loop3A_157 : vector<16xf32> to vector<1x16xf32>
        tpu.vector_store %arg10[%parallel_loop3A_158, %parallel_loop3A_159], %parallel_loop3A_162 {strides = array<i32>} : memref<200x64xf32, #tpu.memory_space<vmem>>, vector<1x16xf32>,
        %parallel_loop3A_163 = arith.index_cast %parallel_loop3A_130 : i32 to index
        %parallel_loop3A_164 = arith.constant 32 : index
        %parallel_loop3A_165 = tpu.vector_load %arg9[%parallel_loop3A_163, %parallel_loop3A_164] {strides = array<i32>} : memref<200x128xf32, #tpu.memory_space<vmem>>, vector<1x16xf32>,
        %parallel_loop3A_166 = vector.shape_cast %parallel_loop3A_165 : vector<1x16xf32> to vector<16xf32>
        %parallel_loop3A_167 = vector.broadcast %scan3A : f32 to vector<16xf32>
        %parallel_loop3A_168 = arith.mulf %parallel_loop3A_166, %parallel_loop3A_167 : vector<16xf32>
        %parallel_loop3A_169 = arith.index_cast %parallel_loop3A_130 : i32 to index
        %parallel_loop3A_170 = arith.constant 32 : index
        %parallel_loop3A_171 = tpu.vector_load %arg11[%parallel_loop3A_169, %parallel_loop3A_170] {strides = array<i32>} : memref<200x64xf32, #tpu.memory_space<vmem>>, vector<1x16xf32>,
        %parallel_loop3A_172 = vector.shape_cast %parallel_loop3A_171 : vector<1x16xf32> to vector<16xf32>
        %parallel_loop3A_173 = arith.addf %parallel_loop3A_168, %parallel_loop3A_172 : vector<16xf32>
        %parallel_loop3A_174 = arith.index_cast %parallel_loop3A_130 : i32 to index
        %parallel_loop3A_175 = arith.constant 32 : index
        %parallel_loop3A_176 = tpu.vector_load %arg10[%parallel_loop3A_174, %parallel_loop3A_175] {strides = array<i32>} : memref<200x64xf32, #tpu.memory_space<vmem>>, vector<1x16xf32>,
        %parallel_loop3A_177 = vector.shape_cast %parallel_loop3A_176 : vector<1x16xf32> to vector<16xf32>
        %parallel_loop3A_178 = vector.shape_cast %parallel_loop3A_173 : vector<16xf32> to vector<1x16xf32>
        tpu.vector_store %arg10[%parallel_loop3A_174, %parallel_loop3A_175], %parallel_loop3A_178 {strides = array<i32>} : memref<200x64xf32, #tpu.memory_space<vmem>>, vector<1x16xf32>,
        %parallel_loop3A_179 = arith.index_cast %parallel_loop3A_130 : i32 to index
        %parallel_loop3A_180 = arith.constant 48 : index
        %parallel_loop3A_181 = tpu.vector_load %arg9[%parallel_loop3A_179, %parallel_loop3A_180] {strides = array<i32>} : memref<200x128xf32, #tpu.memory_space<vmem>>, vector<1x16xf32>,
        %parallel_loop3A_182 = vector.shape_cast %parallel_loop3A_181 : vector<1x16xf32> to vector<16xf32>
        %parallel_loop3A_183 = vector.broadcast %scan3A : f32 to vector<16xf32>
        %parallel_loop3A_184 = arith.mulf %parallel_loop3A_182, %parallel_loop3A_183 : vector<16xf32>
        %parallel_loop3A_185 = arith.index_cast %parallel_loop3A_130 : i32 to index
        %parallel_loop3A_186 = arith.constant 48 : index
        %parallel_loop3A_187 = tpu.vector_load %arg11[%parallel_loop3A_185, %parallel_loop3A_186] {strides = array<i32>} : memref<200x64xf32, #tpu.memory_space<vmem>>, vector<1x16xf32>,
        %parallel_loop3A_188 = vector.shape_cast %parallel_loop3A_187 : vector<1x16xf32> to vector<16xf32>
        %parallel_loop3A_189 = arith.addf %parallel_loop3A_184, %parallel_loop3A_188 : vector<16xf32>
        %parallel_loop3A_190 = arith.index_cast %parallel_loop3A_130 : i32 to index
        %parallel_loop3A_191 = arith.constant 48 : index
        %parallel_loop3A_192 = tpu.vector_load %arg10[%parallel_loop3A_190, %parallel_loop3A_191] {strides = array<i32>} : memref<200x64xf32, #tpu.memory_space<vmem>>, vector<1x16xf32>,
        %parallel_loop3A_193 = vector.shape_cast %parallel_loop3A_192 : vector<1x16xf32> to vector<16xf32>
        %parallel_loop3A_194 = vector.shape_cast %parallel_loop3A_189 : vector<16xf32> to vector<1x16xf32>
        tpu.vector_store %arg10[%parallel_loop3A_190, %parallel_loop3A_191], %parallel_loop3A_194 {strides = array<i32>} : memref<200x64xf32, #tpu.memory_space<vmem>>, vector<1x16xf32>,
      } {sc.loop_unroll_factor = 8 : i64, sc.parallel_access}
      %mul3A_122 = arith.constant 200 : i32
      %mul3A_123 = arith.muli %add3A_93, %mul3A_122 : i32
      %add3A_124 = arith.addi %mul3A_2, %mul3A_123 : i32
      %dma_start3A_125 = arith.constant 0 : i32
      %dma_start3A_126 = tpu.memref_slice %arg5[%add3A_124, %dma_start3A_125] : memref<819200x64xf32, #tpu.memory_space<hbm>> -> memref<200x64xf32, #tpu.memory_space<hbm>>
      %dma_start3A_127 = arith.constant 0 : i32
      %dma_start3A_128 = tpu.memref_slice %arg5[%add3A_124, %dma_start3A_127] : memref<819200x64xf32, #tpu.memory_space<hbm>> -> memref<200x64xf32, #tpu.memory_space<hbm>>
      tpu.enqueue_dma source(%arg10 : memref<200x64xf32, #tpu.memory_space<vmem>>) target(%dma_start3A_128 : memref<200x64xf32, #tpu.memory_space<hbm>>) target_semaphore(%arg16 : memref<!tpu.dma_semaphore, #tpu.memory_space<semaphore_mem>>)
      %scan3A_129 = arith.constant 0 : i32
      scf.yield %scan3A_129 : i32
    }
    %scan3A_47 = arith.constant 64 : i32
    %dma_wait3A_48 = arith.constant 0 : i32
    %dma_wait3A_49 = arith.constant 0 : i32
    %dma_wait3A_50 = tpu.memref_slice %arg5[%dma_wait3A_48, %dma_wait3A_49] : memref<819200x64xf32, #tpu.memory_space<hbm>> -> memref<200x64xf32, #tpu.memory_space<hbm>>
    %dma_wait3A_51 = arith.constant 0 : i32
    %dma_wait3A_52 = arith.constant 0 : i32
    %dma_wait3A_53 = tpu.memref_slice %arg5[%dma_wait3A_51, %dma_wait3A_52] : memref<819200x64xf32, #tpu.memory_space<hbm>> -> memref<200x64xf32, #tpu.memory_space<hbm>>
    tpu.wait_dma2 semaphore(%arg16 : memref<!tpu.dma_semaphore, #tpu.memory_space<semaphore_mem>>) src(%arg10 : memref<200x64xf32, #tpu.memory_space<vmem>>) dst(%dma_wait3A_53 : memref<200x64xf32, #tpu.memory_space<hbm>>)
    return
  }
}

</mosaic_0001>

<sc_bundles>
// kernel: kernel.3.cloned.1.call-start
scs
__scs_entry_jumppad:
0x0: {  	(pc) =	sbr.rel $0x88, $3  }
0x1: {  	(tag) =	ssettag $0x0;
	lr =	simm.s32 $0x1  }
0x2: {  	[smem:$0x3F9E] =	sst lr;
	_ =	strace $0xD0000000  }
0x3: {  	_ = 	snop  }
0x4: {  	_ = 	snop  }
0x5: {  	_ = 	snop  }
0x6: {  	_ = 	snop  }
0x7: {  	_ = 	snop  }
__scs_overlays_trampoline_lowered:
0x8: {  	[smem:$0x3FAD] =	sst s0  }
0x9: {  	[smem:$0x3FAE] =	sst s1  }
0xa: {  	[smem:$0x3FAF] =	sst s2  }
0xb: {  	[smem:$0x3FB0] =	sst s3  }
0xc: {  	[smem:$0x3FB1] =	sst s4  }
0xd: {  	[smem:$0x3FB2] =	sst s5  }
0xe: {  	[smem:$0x3FB3] =	sst s6  }
0xf: {  	[smem:$0x3FB4] =	sst s7  }
0x10: {  	[smem:$0x3FB5] =	sst s8  }
0x11: {  	[smem:$0x3FB6] =	sst s9;
	s0 =	simm.s32 @!p0 $0x0  }
0x12: {  	s1 =	sld [smem:$0x3F9C];
	s0 =	simm.s32 @p0 $0x1  }
0x13: {  	[smem:$0x3FB7] =	sst s0;
	s0 =	simm.s32 @!p1 $0x0  }
0x14: {  	s2 =	sld [smem:$0x3F9B];
	s0 =	simm.s32 @p1 $0x1  }
0x15: {  	[smem:$0x3FB8] =	sst s0;
	s0 =	simm.s32 @!p2 $0x0  }
0x16: {  	s3 =	sld [smem:$0x3FDB];
	s0 =	simm.s32 @p2 $0x1  }
0x17: {  	s4 =	simm.s32 $0x1BF5;
	[smem:$0x3FBA] =	sst s0  }
0x18: {  	s0 =	sld [smem:$0x3F9D];
	_ =	swait.ge [sflag:s4], $0x0  }
0x19: {  	s7 =	sld [smem:$0x3F9E]  }
0x1a: {  	s8 =	sadd.s32 $0xFFFFE003, lr  }
0x1b: {  	s9 =	sadd.s32 $0xFFFFFEF7, lr;
	s5 =	simm.s32 $0xFFFFFFFF;
	p2 =	slt.u32 s8, $0xFFFFF086  }
0x1c: {  	p1 =	slt.u32 s9, $0xF7A;
	s5 =	simm.s32 @!p2 $0x0  }
0x1d: {  	s5 =	simm.s32 @p1 $0x1;
	p0 =	seq.s32 s7, s2  }
0x1e: {  	s7 =	smul.u32 @!p0 $0xF7A, s2;
	p2 =	seq.s32 @!p0 s5, $0x0  }
0x1f: {  	s9 =	smul.u32 $0xF7A, s1;
	s8 =	simm.s32 @!p0 $0x1BF5;
	p2 =	por !p2, p0  }
0x20: {  	[sflag:s8] =	ssyncset.s32 @!p0 $0xFFFFF086;
	s6 =	sadd.s32 @!p0 s3, s7;
	s7 =	simm.s32 @!p0 $0x108  }
0x21: {  	s3 =	sadd.s32 s3, s9;
	s6 =	sadd.s32 @!p0 $0x88, s6;
	s7 =	simm.s32 @p2 $0x1082  }
0x22: {  	[simem:s7], [sflag:s8] =	dma.local @!p0 [hbm:s6], $0xF7A  }
0x23: {  	s9 =	sor.u32 $0xD0000000, s2;
	s6 =	simm.s32 $0x108;
	_ =	swait.ge @!p0 [sflag:s8], $0x0  }
0x24: {  	s3 =	sadd.s32 $0x88, s3;
	s6 =	simm.s32 @!p1 $0x1082;
	[sflag:s4] =	ssyncset.s32 $0xFFFFF086  }
0x25: {  	[simem:s6], [sflag:s4] =	dma.local [hbm:s3], $0xF7A  }
0x26: {  	[smem:$0x3F9E] =	sst s1;
	(tag) =	ssettag s2;
	_ =	strace s9  }
0x27: {  	s1 =	sld [smem:$0x3FAE]  }
0x28: {  	s2 =	sld [smem:$0x3FAF]  }
0x29: {  	s4 =	sld [smem:$0x3FB1]  }
0x2a: {  	p0 =	seq.s32 s5, $0x0;
	s5 =	sld [smem:$0x3FB2]  }
0x2b: {  	s6 =	sld [smem:$0x3FB3]  }
0x2c: {  	s7 =	sld [smem:$0x3FB4]  }
0x2d: {  	s3 =	simm.s32 $0x108;
	s8 =	sld [smem:$0x3FB5]  }
0x2e: {  	s3 =	simm.s32 @!p0 $0x1082;
	s9 =	sld [smem:$0x3FB6]  }
0x2f: {  	lr =	sadd.s32 s0, s3;
	s0 =	sld [smem:$0x3FAD]  }
0x30: {  	s3 =	sld [smem:$0x3FB0]  }
0x31: {  	[smem:$0x3FB9] =	sst s10  }
0x32: {  	s10 =	sld [smem:$0x3FB7];
	_ =	sdelay $0x3  }
0x33: {  	p0 =	seq.s32 s10, $0x1;
	s10 =	sld [smem:$0x3FB9];
	_ =	sdelay $0x3  }
0x34: {  	[smem:$0x3FB9] =	sst s10  }
0x35: {  	s10 =	sld [smem:$0x3FB8];
	_ =	sdelay $0x3  }
0x36: {  	p1 =	seq.s32 s10, $0x1;
	s10 =	sld [smem:$0x3FB9];
	_ =	sdelay $0x3  }
0x37: {  	[smem:$0x3FB9] =	sst s10  }
0x38: {  	s10 =	sld [smem:$0x3FBA]  }
0x39: {  	_ = 	snop;
	(pc) =	sbr.ind lr, $3  }
0x3a: {  	_ = 	snop  }
0x3b: {  	_ = 	snop  }
0x3c: {  	p2 =	seq.s32 s10, $0x1;
	s10 =	sld [smem:$0x3FB9]  }
0x3d: {  	_ =	shalt  }
0x3e: {  	_ =	shalt  }
0x3f: {  	_ =	shalt  }
0x40: {  	_ =	shalt  }
0x41: {  	_ =	shalt  }
0x42: {  	_ =	shalt  }
0x43: {  	_ =	shalt  }
0x44: {  	_ =	shalt  }
0x45: {  	_ =	shalt  }
0x46: {  	_ =	shalt  }
0x47: {  	_ =	shalt  }
0x48: {  	_ =	shalt  }
0x49: {  	_ =	shalt  }
0x4a: {  	_ =	shalt  }
0x4b: {  	_ =	shalt  }
0x4c: {  	_ =	shalt  }
0x4d: {  	_ =	shalt  }
0x4e: {  	_ =	shalt  }
0x4f: {  	_ =	shalt  }
0x50: {  	_ =	shalt  }
0x51: {  	_ =	shalt  }
0x52: {  	_ =	shalt  }
0x53: {  	_ =	shalt  }
0x54: {  	_ =	shalt  }
0x55: {  	_ =	shalt  }
0x56: {  	_ =	shalt  }
0x57: {  	_ =	shalt  }
0x58: {  	_ =	shalt  }
0x59: {  	_ =	shalt  }
0x5a: {  	_ =	shalt  }
0x5b: {  	_ =	shalt  }
0x5c: {  	_ =	shalt  }
0x5d: {  	_ =	shalt  }
0x5e: {  	_ =	shalt  }
0x5f: {  	_ =	shalt  }
0x60: {  	_ =	shalt  }
0x61: {  	_ =	shalt  }
0x62: {  	_ =	shalt  }
0x63: {  	_ =	shalt  }
0x64: {  	_ =	shalt  }
0x65: {  	_ =	shalt  }
0x66: {  	_ =	shalt  }
0x67: {  	_ =	shalt  }
0x68: {  	_ =	shalt  }
0x69: {  	_ =	shalt  }
0x6a: {  	_ =	shalt  }
0x6b: {  	_ =	shalt  }
0x6c: {  	_ =	shalt  }
0x6d: {  	_ =	shalt  }
0x6e: {  	_ =	shalt  }
0x6f: {  	_ =	shalt  }
0x70: {  	_ =	shalt  }
0x71: {  	_ =	shalt  }
0x72: {  	_ =	shalt  }
0x73: {  	_ =	shalt  }
0x74: {  	_ =	shalt  }
0x75: {  	_ =	shalt  }
0x76: {  	_ =	shalt  }
0x77: {  	_ =	shalt  }
0x78: {  	_ =	shalt  }
0x79: {  	_ =	shalt  }
0x7a: {  	_ =	shalt  }
0x7b: {  	_ =	shalt  }
0x7c: {  	_ =	shalt  }
0x7d: {  	_ =	shalt  }
0x7e: {  	_ =	shalt  }
0x7f: {  	_ =	shalt  }
0x80: {  	_ =	shalt  }
0x81: {  	_ =	shalt  }
0x82: {  	_ =	shalt  }
0x83: {  	_ =	shalt  }
0x84: {  	_ =	shalt  }
0x85: {  	_ =	shalt  }
0x86: {  	_ =	shalt  }
0x87: {  	_ =	shalt  }
.Lfunc_end0:
.L_simem_size_0:
called_computation.1_lowered:
.L_overlay_start_0:
0x88: {  	s2 =	sld [smem:$0x3FD9]  }
0x89: {  	s3 =	sld [smem:$0x3FFE];
	_ =	sdelay $0x1  }
0x8a: {  	s1 =	srdreg.scid  }
0x8b: {  	s0 =	sand.u32 $0x1, s1  }
0x8c: {  	s17 =	sshll.u32 s0, $0xA;
	s2 =	sadd.s32 s3, s2  }
0x8d: {  	s2 =	sadd.s32 s2, s17  }
0x8e: {  	[smem:$0x3FC5] =	sst s2  }
0x8f: {  	_ = 	snop  }
0x90: {  	s2 =	sld [smem:$0x3FD0];
	(tm) =	ssettm $0x1  }
0x91: {  	s18 =	sld [smem:$0x3FFB];
	_ =	sdelay $0x3  }
0x92: {  	_ =	strace s18  }
0x93: {  	s3 =	sld [smem:$0x3FFC];
	_ =	sdelay $0x3  }
0x94: {  	_ =	strace s3  }
0x95: {  	s3 =	sld [smem:$0x3FFD];
	_ =	sdelay $0x3  }
0x96: {  	_ =	strace s3  }
0x97: {  	_ =	strace $0x8FFFFFFF  }
0x98: {  	s19 =	sld [smem:$0x3FDB];
	_ =	sdelay $0x1  }
0x99: {  	s4 =	simm.s32 $_scs_section_size  }
0x9a: {  	s5 =	simm.s32 $_size__tile_overlayer_lowered;
	s6 =	simm.s32 $_tile_overlayer_lowered  }
0x9b: {  	s22 =	simm.s32 $0x1BFF;
	s21 =	sshll.u32 s6, $0x1;
	s3 =	sadd.s32 s4, s19  }
0x9c: {  	s7 =	simm.s32 $0x0;
	s20 =	sshll.u32 s5, $0x1;
	s5 =	sadd.s32 s21, s3  }
0x9d: {  	[timem:s7], [sflag:s22] =	dma.local [hbm:s5], s20  }
0x9e: {  	_ =	swait.ge [sflag:s22], s20  }
0x9f: {  	s4 =	ssub.s32 $0x0, s20;
	[sflag:s22] =	ssyncset.done $0x0  }
0xa0: {  	[sflag:s22] =	ssyncadd.s32 s4;
	_ =	sdelay $0x1  }
0xa1: {  	s23 =	simm.s32 $0x1B8B  }
0xa2: {  	_ =	swait.ge [sflag:s23], $0x1  }
0xa3: {  	[sflag:s23] =	ssyncset.done $0x0  }
0xa4: {  	s25 =	simm.s32 $0x1B8E;
	s24 =	sld [smem:$0x3FFE];
	[sflag:s23] =	ssyncadd.s32 $0xFFFFFFFF  }
0xa5: {  	s26 =	simm.s32 $execute0_lowered;
	[smem:$0x3FD2] =	sst s25  }
0xa6: {  	s5 =	sshll.u32 s26, $0x1;
	_ =	strace $0x80000046;
	[dreg:$0x1] =	wrdreg $0xFFFFFFFF  }
0xa7: {  	s28 =	simm.s32 $_size_execute0_lowered;
	s3 =	sadd.s32 s3, s5;
	[dreg:$0x0] =	wrdreg $0x0  }
0xa8: {  	s5 =	sshll.u32 s28, $0x1;
	[dreg:$0x2] =	wrdreg s3  }
0xa9: {  	[dreg:$0x3] =	wrdreg s5  }
0xaa: {  	[dreg:$0x4] =	wrdreg $0xC0  }
0xab: {  	_ =	task [dreg:s7], $0x5FFFF  }
0xac: {  	[dreg:$0x1] =	wrdreg $0xFFFFFFFF  }
0xad: {  	[dreg:$0x0] =	wrdreg $0x60  }
0xae: {  	[dreg:$0x2] =	wrdreg s2  }
0xaf: {  	[dreg:$0x3] =	wrdreg s24  }
0xb0: {  	[dreg:$0x4] =	wrdreg $0x9  }
0xb1: {  	_ =	task.clear_ibuf [dreg:s7], $0x5FFFF;
	_ =	strace $0x90000046  }
0xb2: {  	s29 =	simm.s32 $0x9;
	_ =	strace $0x80000048  }
0xb3: {  	_ =	swait.ge [sflag:s29], $0x1  }
0xb4: {  	[sflag:s29] =	ssyncadd.s32 $0xFFFFFFFF  }
0xb5: {  	_ =	strace $0x90000048  }
0xb6: {  	_ =	sfence  }
0xb7: {  	s30 =	sld [smem:$0x0];
	_ =	sdelay $0x2  }
0xb8: {  	s31 =	sshll.u32 s1, $0xD;
	s1 =	sshrl.u32 s1, $0x2  }
0xb9: {  	s3 =	sand.u32 $0x4000, s31;
	s1 =	sadd.s32 s1, s30  }
0xba: {  	s0 =	sor.u32 s3, s0;
	s1 =	sshll.u32 s1, $0x11  }
0xbb: {  	s0 =	sor.u32 s1, s0  }
0xbc: {  	s0 =	sadd.s32 $0x8F2B, s0  }
0xbd: {  	[sflag:s0] =	ssyncadd.remote.s32 $0x1  }
0xbe: {  	_ =	sfence.sel $0xFFFF  }
0xbf: {  	[dreg:$0x0] =	wrdreg $0xFFFFFFFF;
	(pc) =	sbr.abs _section_cstart, $3  }
0xc0: {  	[dreg:$0x1] =	wrdreg $0xFFFFFFFF  }
0xc1: {  	_ =	task.clear_ibuf [dreg:s7], $0x2FFFF;
	_ =	strace $0x9FFFFFFF  }
0xc2: {  	(tm) =	ssettm $0x7FFFFFFF  }
0xc3: {  	_ =	shalt  }
tec
execute0_lowered:
.L_overlay_start_1:
0x0: {  	(tag) =	ssettag $0x1  }
0x1: {  	s2 =	rddreg [dreg:$0x0];
	s0 =	srdreg.scid  }
0x2: {  	s3 =	stileid.u32;
	s1 =	rddreg [dreg:$0x1]  }
0x3: {  	s15 =	simm.s32 $0x6;
	s16 =	simm.s32 $0x100;
	s17 =	simm.s32 $0x1  }
0x4: {  	s18 =	simm.s32 $0x80;
	s20 =	simm.s32 $0x48;
	s22 =	simm.s32 $0x2  }
0x5: {  	s23 =	simm.s32 $0x6600;
	s24 =	simm.s32 $0x180;
	s25 =	simm.s32 $0xA600  }
0x6: {  	s26 =	simm.s32 $0x3;
	s28 =	simm.s32 $0xCA00;
	s29 =	simm.s32 $0x5  }
0x7: {  	s30 =	simm.s32 $0x0;
	s0 =	sand.u32 $0x1, s0;
	s4 =	sshll.u32 s3, $0x1  }
0x8: {  	s3 =	simm.s32 $0x0;
	s5 =	sadd.s32 $0xF43E00, s1;
	s4 =	sor.u32 s0, s4  }
0x9: {  	s6 =	sadd.s32 $0xF43000, s1;
	s0 =	ssub.s32 $0x2, s0;
	s4 =	smul.u32 $0x6400, s4  }
0xa: {  	s7 =	sadd.s32 $0xC00, s1;
	[smem:$0x7FF] =	sst s3;
	s8 =	sshrl.u32 s0, $0x1  }
0xb: {  	_ =	strace $0x80000047;
	s0 =	ssub.s32 s0, s8;
	s9 =	sshrl.u32 s4, $0x3  }
0xc: {  	s10 =	sor.u32 $0x190, s4;
	s11 =	sor.u32 $0x258, s4;
	s8 =	sadd.s32 s2, s9  }
0xd: {  	s12 =	sor.u32 $0xC8, s4;
	s13 =	smax.u32 s0, $0x1;
	s9 =	sadd.s32 $0x19, s8  }
.LBB2_1:
0xe: {  	s0 =	simm.s32 $0x12E00  }
0xf: {  	[tilespmem:s0], [sflag:$0x6] =	stream.linear.gather [hbm4b:s6+s3], $0x6400, $0x38;
	[tilespmem:$0x19200] =	vst v63  }
0x10: {  	_ =	swait.ge [sflag:s15], $0x6400  }
0x11: {  	[sflag:s15] =	ssyncset.done $0x0  }
0x12: {  	[sflag:s15] =	ssyncadd.s32 $0xFFFF9C00  }
0x13: {  	[tilespmem:s3], [sflag:$0x1] =	stream.linear.gather [hbm4b:s8+s3], $0xC8, $0x38;
	[tilespmem:$0x19200] =	vst v63  }
0x14: {  	_ = 	snop  }
0x15: {  	[tilespmem:s16], [sflag:$0x2] =	stream.linear.gather [hbm4b:s9+s3], $0xC8, $0x38;
	[tilespmem:$0x19200] =	vst v63  }
0x16: {  	_ =	swait.ge [sflag:s17], $0xC8  }
0x17: {  	[sflag:s17] =	ssyncset.done $0x0  }
0x18: {  	s19 =	simm.s32 $0x200;
	[sflag:s17] =	ssyncadd.s32 $0xFFFFFF38  }
0x19: {  	[tilespmem:s19], [sflag:$0x3] =	stream.indirect.gather [hbm4b:s5+s18], $0x80, s3, s18, $0xb8;
	[tilespmem:$0x19200] =	vst v63  }
0x1a: {  	s21 =	simm.s32 $0x4200;
	s31 =	simm.s32 $0x0  }
0x1b: {  	[tilespmem:s21], [sflag:$0x3] =	stream.indirect.gather [hbm4b:s5+s20], $0x80, s18, s20, $0xb8;
	[tilespmem:$0x19200] =	vst v63  }
.LBB2_2:
0x1c: {  	_ =	swait.ge [sflag:s22], $0xC8  }
0x1d: {  	[sflag:s22] =	ssyncset.done $0x0  }
0x1e: {  	p0 =	seq.s32 s31, $0x3F;
	[sflag:s22] =	ssyncadd.s32 $0xFFFFFF38  }
0x1f: {  	[tilespmem:s23], [sflag:$0x4] =	stream.indirect.gather [hbm4b:s5+s18], $0x80, s16, s18, $0xb8;
	[tilespmem:$0x19200] =	vst v63  }
0x20: {  	s0 =	smul.u32 @!p0 $0x190, s31  }
0x21: {  	[tilespmem:s25], [sflag:$0x4] =	stream.indirect.gather [hbm4b:s5+s20], $0x80, s24, s20, $0xb8;
	[tilespmem:$0x19200] =	vst v63  }
0x22: {  	s0 =	sadd.s32 @!p0 s0, s10;
	_ =	swait.ge [sflag:s26], $0x6400  }
0x23: {  	s1 =	simm.s32 @!p0 $0x0;
	s0 =	sshrl.u32 @!p0 s0, $0x3;
	[sflag:s26] =	ssyncset.done $0x0  }
0x24: {  	p1 =	seq.s32 @!p0 s31, $0x0;
	s0 =	sadd.s32 @!p0 s2, s0;
	[sflag:s26] =	ssyncadd.s32 $0xFFFF9C00  }
0x25: {  	[tilespmem:s1], [sflag:$0x1] =	stream.linear.gather @!p0 [hbm4b:s0+s1], $0xC8, $0x38;
	[tilespmem:$0x19200] =	vst v63  }
0x26: {  	p0 =	por p0, !p1  }
0x27: {  	_ =	swait.ge @p0 [sflag:s29], $0x6400  }
0x28: {  	[sflag:s29] =	ssyncset.done @p0 $0x0  }
0x29: {  	s14 =	simm.s32 $0x400;
	[sflag:s29] =	ssyncadd.s32 @p0 $0xFFFF9C00  }
0x2a: {  	v0 =	vld [tilespmem:s14+$0x180]  }
0x2b: {  	s1 =	simm.s32 $0x13000;
	v1 =	vld [tilespmem:s14+$0xFFFFFE80]  }
0x2c: {  	v2 =	vld [tilespmem:s1+$0x180]  }
0x2d: {  	v3 =	vld [tilespmem:s14+$0xFFFFFF00]  }
0x2e: {  	v4 =	vld [tilespmem:s14+$0xFFFFFF80]  }
0x2f: {  	v5 =	vld [tilespmem:s14+$0x0]  }
0x30: {  	v6 =	vld [tilespmem:s14+$0x80]  }
0x31: {  	v8 =	vld [tilespmem:s1+$0xFFFFFE00];
	v0 =	vmul.f32 $8.000000000e+00, v0  }
0x32: {  	v9 =	vld [tilespmem:s1+$0xFFFFFE80]  }
0x33: {  	v12 =	vld [tilespmem:s1+$0xFFFFFF80];
	v0 =	vadd.f32 v2, v0  }
0x34: {  	s0 =	simm.s32 $0xCC00;
	v2 =	vld [tilespmem:s14+$0xFFFFFE00]  }
0x35: {  	v11 =	vld [tilespmem:s1+$0xFFFFFF00];
	v1 =	vmul.f32 $8.000000000e+00, v1;
	[tilespmem:s0+$0x180] =	vst v0  }
0x36: {  	v0 =	vld [tilespmem:s14+$0x190]  }
0x37: {  	v7 =	vld [tilespmem:s14+$0x100];
	v4 =	vmul.f32 $8.000000000e+00, v4;
	v1 =	vadd.f32 v9, v1  }
0x38: {  	v3 =	vmul.f32 $8.000000000e+00, v3;
	v10 =	vld [tilespmem:s1+$0x190]  }
0x39: {  	v9 =	vld [tilespmem:s1+$0x80];
	v4 =	vadd.f32 v12, v4;
	[tilespmem:s0+$0xFFFFFE80] =	vst v1;
	v2 =	vmul.f32 $8.000000000e+00, v2  }
0x3a: {  	v1 =	vadd.f32 v11, v3;
	v3 =	vmul.f32 $8.000000000e+00, v5;
	v5 =	vld [tilespmem:s14+$0xFFFFFE90]  }
0x3b: {  	[tilespmem:s0+$0xFFFFFF80] =	vst v4;
	v2 =	vadd.f32 v8, v2;
	v8 =	vld [tilespmem:s1+$0x0];
	v0 =	vmul.f32 $8.000000000e+00, v0  }
0x3c: {  	v11 =	vld [tilespmem:s1+$0xFFFFFF90]  }
0x3d: {  	[tilespmem:s0+$0xFFFFFE00] =	vst v2;
	v2 =	vld [tilespmem:s1+$0x100];
	v0 =	vadd.f32 v10, v0  }
0x3e: {  	[tilespmem:s0+$0xFFFFFF00] =	vst v1;
	v10 =	vld [tilespmem:s14+$0xFFFFFE10]  }
0x3f: {  	[tilespmem:s0+$0x190] =	vst v0;
	v0 =	vmul.f32 $8.000000000e+00, v6;
	v6 =	vmul.f32 $8.000000000e+00, v7;
	v7 =	vld [tilespmem:s14+$0xFFFFFF10]  }
0x40: {  	v3 =	vadd.f32 v8, v3;
	v8 =	vld [tilespmem:s1+$0xFFFFFE10]  }
0x41: {  	v1 =	vld [tilespmem:s14+$0x1A0]  }
0x42: {  	v4 =	vld [tilespmem:s1+$0x1A0]  }
0x43: {  	v0 =	vadd.f32 v9, v0;
	v9 =	vld [tilespmem:s1+$0xFFFFFF10]  }
0x44: {  	[tilespmem:s0+$0x0] =	vst v3;
	v2 =	vadd.f32 v2, v6;
	v3 =	vld [tilespmem:s14+$0xFFFFFF90]  }
0x45: {  	v10 =	vmul.f32 $8.000000000e+00, v10;
	[tilespmem:s0+$0x80] =	vst v0;
	v0 =	vld [tilespmem:s14+$0x10]  }
0x46: {  	[tilespmem:s0+$0x100] =	vst v2;
	v2 =	vld [tilespmem:s14+$0x90];
	v7 =	vmul.f32 $8.000000000e+00, v7  }
0x47: {  	v6 =	vld [tilespmem:s14+$0x110];
	v8 =	vadd.f32 v8, v10;
	v1 =	vmul.f32 $8.000000000e+00, v1  }
0x48: {  	v10 =	vld [tilespmem:s1+$0x10];
	v7 =	vadd.f32 v9, v7  }
0x49: {  	[tilespmem:s0+$0xFFFFFE10] =	vst v8;
	v8 =	vld [tilespmem:s1+$0x110];
	v1 =	vadd.f32 v4, v1  }
0x4a: {  	v3 =	vmul.f32 $8.000000000e+00, v3;
	v4 =	vld [tilespmem:s1+$0xFFFFFE90];
	[tilespmem:s0+$0xFFFFFF10] =	vst v7  }
0x4b: {  	[tilespmem:s0+$0x1A0] =	vst v1;
	v9 =	vld [tilespmem:s14+$0xFFFFFF20]  }
0x4c: {  	v0 =	vmul.f32 $8.000000000e+00, v0;
	v3 =	vadd.f32 v11, v3;
	v1 =	vld [tilespmem:s14+$0x1B0]  }
0x4d: {  	v61 =	vld [tilespmem:s1+$0x1B0]  }
0x4e: {  	v5 =	vmul.f32 $8.000000000e+00, v5;
	[tilespmem:s0+$0xFFFFFF90] =	vst v3;
	v0 =	vadd.f32 v10, v0;
	v10 =	vld [tilespmem:s1+$0xFFFFFF20]  }
0x4f: {  	v3 =	vld [tilespmem:s14+$0xFFFFFFA0]  }
0x50: {  	v6 =	vmul.f32 $8.000000000e+00, v6;
	v4 =	vadd.f32 v4, v5;
	v5 =	vld [tilespmem:s1+$0x90]  }
0x51: {  	v11 =	vld [tilespmem:s1+$0xFFFFFFA0];
	[tilespmem:s0+$0x10] =	vst v0  }
0x52: {  	v0 =	vadd.f32 v8, v6;
	v6 =	vld [tilespmem:s14+$0x20]  }
0x53: {  	v2 =	vmul.f32 $8.000000000e+00, v2;
	[tilespmem:s0+$0xFFFFFE90] =	vst v4;
	v4 =	vld [tilespmem:s14+$0xFFFFFE20]  }
0x54: {  	v7 =	vld [tilespmem:s14+$0xFFFFFEA0]  }
0x55: {  	[tilespmem:s0+$0x110] =	vst v0;
	v2 =	vadd.f32 v5, v2;
	v5 =	vld [tilespmem:s1+$0xFFFFFE20]  }
0x56: {  	v0 =	vld [tilespmem:s14+$0x120];
	v3 =	vmul.f32 $8.000000000e+00, v3  }
0x57: {  	v8 =	vld [tilespmem:s1+$0xFFFFFEA0];
	[tilespmem:s0+$0x90] =	vst v2  }
0x58: {  	v3 =	vadd.f32 v11, v3;
	v4 =	vmul.f32 $8.000000000e+00, v4;
	v2 =	vld [tilespmem:s14+$0xA0]  }
0x59: {  	v13 =	vld [tilespmem:s1+$0xA0]  }
0x5a: {  	v7 =	vmul.f32 $8.000000000e+00, v7;
	[tilespmem:s0+$0xFFFFFFA0] =	vst v3;
	v4 =	vadd.f32 v5, v4;
	v5 =	vld [tilespmem:s1+$0x20]  }
0x5b: {  	v9 =	vmul.f32 $8.000000000e+00, v9;
	v3 =	vld [tilespmem:s14+$0xFFFFFFB0]  }
0x5c: {  	[tilespmem:s0+$0xFFFFFE20] =	vst v4;
	v4 =	vadd.f32 v8, v7;
	v7 =	vld [tilespmem:s1+$0x120]  }
0x5d: {  	v6 =	vmul.f32 $8.000000000e+00, v6;
	v8 =	vadd.f32 v10, v9;
	v9 =	vld [tilespmem:s14+$0xFFFFFE30]  }
0x5e: {  	v2 =	vmul.f32 $8.000000000e+00, v2;
	[tilespmem:s0+$0xFFFFFEA0] =	vst v4;
	v4 =	vld [tilespmem:s1+$0xFFFFFE30]  }
0x5f: {  	v0 =	vmul.f32 $8.000000000e+00, v0;
	[tilespmem:s0+$0xFFFFFF20] =	vst v8;
	v10 =	vld [tilespmem:s14+$0xFFFFFEB0];
	v5 =	vadd.f32 v5, v6  }
0x60: {  	v8 =	vld [tilespmem:s14+$0xFFFFFF30];
	v2 =	vadd.f32 v13, v2  }
0x61: {  	v62 =	vld [tilespmem:s1+$0xFFFFFEB0];
	[tilespmem:s0+$0x20] =	vst v5;
	v0 =	vadd.f32 v7, v0  }
0x62: {  	[tilespmem:s0+$0xA0] =	vst v2;
	v5 =	vld [tilespmem:s14+$0x30]  }
0x63: {  	v11 =	vld [tilespmem:s14+$0xB0];
	[tilespmem:s0+$0x120] =	vst v0  }
0x64: {  	v1 =	vmul.f32 $8.000000000e+00, v1;
	v0 =	vld [tilespmem:s14+$0x130]  }
0x65: {  	v6 =	vld [tilespmem:s1+$0xFFFFFF30];
	v2 =	vmul.f32 $8.000000000e+00, v9  }
0x66: {  	v9 =	vadd.f32 v61, v1;
	v1 =	vld [tilespmem:s1+$0xFFFFFFB0]  }
0x67: {  	v63 =	vadd.f32 v4, v2;
	v10 =	vmul.f32 $8.000000000e+00, v10;
	v7 =	vmul.f32 $8.000000000e+00, v8;
	v2 =	vld [tilespmem:s1+$0x30]  }
0x68: {  	[tilespmem:s0+$0x1B0] =	vst v9;
	v8 =	vmul.f32 $8.000000000e+00, v3;
	v3 =	vld [tilespmem:s1+$0xB0];
	v4 =	vmul.f32 $8.000000000e+00, v5  }
0x69: {  	s19 =	simm.s32 $0x800;
	s14 =	simm.s32 $0x0;
	v9 =	vld [tilespmem:s1+$0x130];
	[tilespmem:s0+$0xFFFFFE30] =	vst v63;
	v10 =	vadd.f32 v62, v10;
	v5 =	vmul.f32 $8.000000000e+00, v11;
	v0 =	vmul.f32 $8.000000000e+00, v0  }
.LBB2_3:
0x6a: {  	v11 =	vld [tilespmem:s19+$0x180];
	s14 =	sadd.s32 $0x8, s14;
	v6 =	vadd.f32 v6, v7  }
0x6b: {  	s1 =	sadd.s32 $0x400, s1;
	v7 =	vld [tilespmem:s19+$0xFFFFFE80];
	p0 =	slt.u32 s14, $0xC0;
	[tilespmem:s0+$0xFFFFFEB0] =	vst v10;
	v1 =	vadd.f32 v1, v8  }
0x6c: {  	v8 =	vld [tilespmem:s1+$0x180];
	[tilespmem:s0+$0xFFFFFF30] =	vst v6;
	v2 =	vadd.f32 v2, v4  }
0x6d: {  	v4 =	vld [tilespmem:s19+$0xFFFFFF00];
	[tilespmem:s0+$0xFFFFFFB0] =	vst v1;
	v1 =	vadd.f32 v3, v5  }
0x6e: {  	v3 =	vld [tilespmem:s19+$0xFFFFFF80];
	[tilespmem:s0+$0x30] =	vst v2;
	v0 =	vadd.f32 v9, v0  }
0x6f: {  	v2 =	vld [tilespmem:s19+$0x0];
	v5 =	vmul.f32 $8.000000000e+00, v11;
	[tilespmem:s0+$0xB0] =	vst v1  }
0x70: {  	v1 =	vmul.f32 $8.000000000e+00, v7;
	v6 =	vld [tilespmem:s19+$0x80];
	[tilespmem:s0+$0x130] =	vst v0  }
0x71: {  	v0 =	vld [tilespmem:s19+$0x100];
	v5 =	vadd.f32 v8, v5  }
0x72: {  	s0 =	sadd.s32 $0x400, s0;
	v7 =	vld [tilespmem:s19+$0xFFFFFE00];
	v4 =	vmul.f32 $8.000000000e+00, v4  }
0x73: {  	v8 =	vld [tilespmem:s1+$0xFFFFFE00];
	v3 =	vmul.f32 $8.000000000e+00, v3;
	[tilespmem:s0+$0x180] =	vst v5  }
0x74: {  	v2 =	vmul.f32 $8.000000000e+00, v2;
	v5 =	vld [tilespmem:s19+$0x190]  }
0x75: {  	v9 =	vld [tilespmem:s1+$0xFFFFFE80];
	v6 =	vmul.f32 $8.000000000e+00, v6  }
0x76: {  	v0 =	vmul.f32 $8.000000000e+00, v0;
	v10 =	vld [tilespmem:s1+$0x190]  }
0x77: {  	v7 =	vmul.f32 $8.000000000e+00, v7;
	v11 =	vld [tilespmem:s1+$0xFFFFFF00]  }
0x78: {  	v12 =	vld [tilespmem:s1+$0xFFFFFF80]  }
0x79: {  	v7 =	vadd.f32 v8, v7;
	v8 =	vld [tilespmem:s1+$0x0];
	v5 =	vmul.f32 $8.000000000e+00, v5  }
0x7a: {  	v1 =	vadd.f32 v9, v1;
	v9 =	vld [tilespmem:s1+$0x80]  }
0x7b: {  	[tilespmem:s0+$0xFFFFFE00] =	vst v7;
	v7 =	vld [tilespmem:s1+$0x100];
	v5 =	vadd.f32 v10, v5  }
0x7c: {  	v10 =	vld [tilespmem:s19+$0xFFFFFE10];
	[tilespmem:s0+$0xFFFFFE80] =	vst v1;
	v1 =	vadd.f32 v11, v4  }
0x7d: {  	v4 =	vld [tilespmem:s19+$0xFFFFFE90];
	v3 =	vadd.f32 v12, v3;
	[tilespmem:s0+$0x190] =	vst v5  }
0x7e: {  	[tilespmem:s0+$0xFFFFFF00] =	vst v1;
	v1 =	vadd.f32 v8, v2;
	v2 =	vld [tilespmem:s19+$0x1A0]  }
0x7f: {  	v5 =	vld [tilespmem:s19+$0xFFFFFF10];
	[tilespmem:s0+$0xFFFFFF80] =	vst v3;
	v3 =	vadd.f32 v9, v6  }
0x80: {  	[tilespmem:s0+$0x0] =	vst v1;
	v0 =	vadd.f32 v7, v0;
	v1 =	vld [tilespmem:s1+$0x1A0]  }
0x81: {  	v6 =	vmul.f32 $8.000000000e+00, v10;
	v7 =	vld [tilespmem:s19+$0xFFFFFF90];
	[tilespmem:s0+$0x80] =	vst v3  }
0x82: {  	v3 =	vmul.f32 $8.000000000e+00, v4;
	v4 =	vld [tilespmem:s19+$0x10];
	[tilespmem:s0+$0x100] =	vst v0  }
0x83: {  	v0 =	vld [tilespmem:s19+$0x90];
	v2 =	vmul.f32 $8.000000000e+00, v2  }
0x84: {  	v5 =	vmul.f32 $8.000000000e+00, v5;
	v8 =	vld [tilespmem:s19+$0x110]  }
0x85: {  	v9 =	vld [tilespmem:s1+$0xFFFFFE10];
	v1 =	vadd.f32 v1, v2  }
0x86: {  	v2 =	vld [tilespmem:s1+$0xFFFFFE90];
	v7 =	vmul.f32 $8.000000000e+00, v7  }
0x87: {  	v10 =	vld [tilespmem:s1+$0xFFFFFF10];
	v4 =	vmul.f32 $8.000000000e+00, v4;
	[tilespmem:s0+$0x1A0] =	vst v1  }
0x88: {  	v0 =	vmul.f32 $8.000000000e+00, v0;
	v1 =	vld [tilespmem:s19+$0x1B0]  }
0x89: {  	v11 =	vld [tilespmem:s1+$0xFFFFFF90];
	v8 =	vmul.f32 $8.000000000e+00, v8  }
0x8a: {  	v6 =	vadd.f32 v9, v6;
	v9 =	vld [tilespmem:s1+$0x1B0]  }
0x8b: {  	v2 =	vadd.f32 v2, v3;
	v3 =	vld [tilespmem:s1+$0x10]  }
0x8c: {  	[tilespmem:s0+$0xFFFFFE10] =	vst v6;
	v5 =	vadd.f32 v10, v5;
	v6 =	vld [tilespmem:s1+$0x90]  }
0x8d: {  	[tilespmem:s0+$0xFFFFFE90] =	vst v2;
	v2 =	vld [tilespmem:s1+$0x110];
	v1 =	vmul.f32 $8.000000000e+00, v1  }
0x8e: {  	v10 =	vld [tilespmem:s19+$0xFFFFFE20];
	[tilespmem:s0+$0xFFFFFF10] =	vst v5;
	v5 =	vadd.f32 v11, v7  }
0x8f: {  	v7 =	vld [tilespmem:s19+$0xFFFFFEA0];
	v1 =	vadd.f32 v9, v1  }
0x90: {  	v9 =	vld [tilespmem:s19+$0xFFFFFF20];
	[tilespmem:s0+$0xFFFFFF90] =	vst v5;
	v3 =	vadd.f32 v3, v4  }
0x91: {  	v4 =	vld [tilespmem:s19+$0xFFFFFFA0];
	v0 =	vadd.f32 v6, v0;
	[tilespmem:s0+$0x1B0] =	vst v1  }
0x92: {  	v1 =	vld [tilespmem:s1+$0xFFFFFE20];
	[tilespmem:s0+$0x10] =	vst v3;
	v2 =	vadd.f32 v2, v8  }
0x93: {  	v3 =	vmul.f32 $8.000000000e+00, v10;
	v5 =	vld [tilespmem:s19+$0x20];
	[tilespmem:s0+$0x90] =	vst v0  }
0x94: {  	v0 =	vmul.f32 $8.000000000e+00, v7;
	v6 =	vld [tilespmem:s19+$0xA0];
	[tilespmem:s0+$0x110] =	vst v2  }
0x95: {  	v2 =	vmul.f32 $8.000000000e+00, v9;
	v7 =	vld [tilespmem:s19+$0x120]  }
0x96: {  	v8 =	vld [tilespmem:s1+$0xFFFFFEA0];
	v4 =	vmul.f32 $8.000000000e+00, v4  }
0x97: {  	v1 =	vadd.f32 v1, v3;
	v3 =	vld [tilespmem:s1+$0xFFFFFF20]  }
0x98: {  	v9 =	vld [tilespmem:s1+$0xFFFFFFA0];
	v5 =	vmul.f32 $8.000000000e+00, v5  }
0x99: {  	[tilespmem:s0+$0xFFFFFE20] =	vst v1;
	v1 =	vld [tilespmem:s1+$0x20];
	v6 =	vmul.f32 $8.000000000e+00, v6  }
0x9a: {  	v10 =	vld [tilespmem:s1+$0xA0];
	v7 =	vmul.f32 $8.000000000e+00, v7  }
0x9b: {  	v0 =	vadd.f32 v8, v0;
	v8 =	vld [tilespmem:s1+$0x120]  }
0x9c: {  	v11 =	vld [tilespmem:s19+$0xFFFFFE30];
	v2 =	vadd.f32 v3, v2  }
0x9d: {  	v3 =	vld [tilespmem:s1+$0xFFFFFE30];
	[tilespmem:s0+$0xFFFFFEA0] =	vst v0;
	v0 =	vadd.f32 v9, v4  }
0x9e: {  	v4 =	vld [tilespmem:s19+$0xFFFFFEB0];
	[tilespmem:s0+$0xFFFFFF20] =	vst v2;
	v1 =	vadd.f32 v1, v5  }
0x9f: {  	v2 =	vld [tilespmem:s19+$0xFFFFFF30];
	[tilespmem:s0+$0xFFFFFFA0] =	vst v0;
	v0 =	vadd.f32 v10, v6  }
0xa0: {  	v5 =	vld [tilespmem:s19+$0xFFFFFFB0];
	[tilespmem:s0+$0x20] =	vst v1;
	v1 =	vadd.f32 v8, v7  }
0xa1: {  	v6 =	vmul.f32 $8.000000000e+00, v11;
	v9 =	vld [tilespmem:s19+$0x30];
	[tilespmem:s0+$0xA0] =	vst v0  }
0xa2: {  	v0 =	vld [tilespmem:s19+$0xB0];
	[tilespmem:s0+$0x120] =	vst v1  }
0xa3: {  	v1 =	vadd.f32 v3, v6;
	v10 =	vmul.f32 $8.000000000e+00, v4;
	v11 =	vld [tilespmem:s19+$0x130]  }
0xa4: {  	v12 =	vld [tilespmem:s1+$0xFFFFFEB0];
	v7 =	vmul.f32 $8.000000000e+00, v2  }
.Ltmp0:
0xa5: {  	[tilespmem:s0+$0xFFFFFE30] =	vst v1;
	v6 =	vld [tilespmem:s1+$0xFFFFFF30];
	v8 =	vmul.f32 $8.000000000e+00, v5;
	(pc) =	sbr.rel @p0 .LBB2_3-.Ltmp0, $4  }
0xa6: {  	v1 =	vld [tilespmem:s1+$0xFFFFFFB0];
	v4 =	vmul.f32 $8.000000000e+00, v9  }
0xa7: {  	v2 =	vld [tilespmem:s1+$0x30];
	v5 =	vmul.f32 $8.000000000e+00, v0  }
0xa8: {  	v3 =	vld [tilespmem:s1+$0xB0];
	v0 =	vmul.f32 $8.000000000e+00, v11  }
0xa9: {  	s19 =	sadd.s32 $0x400, s19;
	v10 =	vadd.f32 v12, v10;
	v9 =	vld [tilespmem:s1+$0x130]  }
0xaa: {  	v6 =	vadd.f32 v6, v7  }
0xab: {  	[tilespmem:s0+$0xFFFFFEB0] =	vst v10;
	v1 =	vadd.f32 v1, v8  }
0xac: {  	s1 =	smul.u32 $0x190, s31;
	[tilespmem:s0+$0xFFFFFF30] =	vst v6;
	v2 =	vadd.f32 v2, v4  }
0xad: {  	[tilespmem:s0+$0xFFFFFFB0] =	vst v1;
	v1 =	vadd.f32 v3, v5  }
0xae: {  	s14 =	sadd.s32 s4, s1;
	[tilespmem:s0+$0x30] =	vst v2;
	v0 =	vadd.f32 v9, v0  }
0xaf: {  	p0 =	sne.s32 s31, $0x3F;
	s14 =	sshll.u32 s14, $0x4;
	[tilespmem:s0+$0xB0] =	vst v1  }
0xb0: {  	s19 =	sadd.s32 s7, s14;
	[tilespmem:s0+$0x130] =	vst v0;
	s0 =	simm.s32 @p0 $0x1  }
0xb1: {  	[hbm4b:s19+s3] =	stream.linear.scatter [tilespmem:s28], [sflag:$0x5], $0x6400, $0x38;
	[tilespmem:$0x19200] =	vst v63  }
0xb2: {  	_ =	swait.ge @p0 [sflag:s0], $0xC8  }
0xb3: {  	s14 =	simm.s32 @p0 $0x0;
	[sflag:s0] =	ssyncset.done @p0 $0x0  }
0xb4: {  	s19 =	simm.s32 @p0 $0x200;
	[sflag:s0] =	ssyncadd.s32 @p0 $0xFFFFFF38;
	s0 =	simm.s32 @p0 $0x80  }
0xb5: {  	[tilespmem:s19], [sflag:$0x3] =	stream.indirect.gather @p0 [hbm4b:s5+s0], $0x80, s14, s0, $0xb8;
	[tilespmem:$0x19200] =	vst v63  }
0xb6: {  	s21 =	simm.s32 @p0 $0x4200;
	s19 =	simm.s32 @p0 $0x48  }
0xb7: {  	[tilespmem:s21], [sflag:$0x3] =	stream.indirect.gather @p0 [hbm4b:s5+s19], $0x80, s0, s19, $0xb8;
	[tilespmem:$0x19200] =	vst v63  }
0xb8: {  	s0 =	simm.s32 @p0 $0x4  }
0xb9: {  	s19 =	sadd.s32 @p0 s1, s11;
	_ =	swait.ge @p0 [sflag:s0], $0x6400  }
0xba: {  	s19 =	sshrl.u32 @p0 s19, $0x3;
	[sflag:s0] =	ssyncset.done @p0 $0x0  }
0xbb: {  	[sflag:s0] =	ssyncadd.s32 @p0 $0xFFFF9C00;
	s0 =	sadd.s32 @p0 s2, s19;
	s19 =	simm.s32 @p0 $0x100  }
0xbc: {  	[tilespmem:s19], [sflag:$0x2] =	stream.linear.gather @p0 [hbm4b:s0+s14], $0xC8, $0x38;
	[tilespmem:$0x19200] =	vst v63  }
0xbd: {  	s0 =	simm.s32 @!p0 $0x4  }
0xbe: {  	_ =	swait.ge @!p0 [sflag:s0], $0x6400  }
0xbf: {  	[sflag:s0] =	ssyncset.done @!p0 $0x0  }
0xc0: {  	[sflag:s0] =	ssyncadd.s32 @!p0 $0xFFFF9C00  }
0xc1: {  	_ =	swait.ge [sflag:s29], $0x6400  }
0xc2: {  	[sflag:s29] =	ssyncset.done $0x0  }
0xc3: {  	s21 =	simm.s32 $0x6800;
	[sflag:s29] =	ssyncadd.s32 $0xFFFF9C00  }
0xc4: {  	v0 =	vld [tilespmem:s21+$0x180]  }
0xc5: {  	s14 =	simm.s32 $0x13000;
	v1 =	vld [tilespmem:s21+$0xFFFFFE80]  }
0xc6: {  	v2 =	vld [tilespmem:s14+$0x180]  }
0xc7: {  	v3 =	vld [tilespmem:s21+$0xFFFFFF00]  }
0xc8: {  	v4 =	vld [tilespmem:s21+$0xFFFFFF80]  }
0xc9: {  	v5 =	vld [tilespmem:s21+$0x0]  }
0xca: {  	v6 =	vld [tilespmem:s21+$0x80]  }
0xcb: {  	v8 =	vld [tilespmem:s14+$0xFFFFFE00];
	v0 =	vmul.f32 $8.000000000e+00, v0  }
0xcc: {  	v9 =	vld [tilespmem:s14+$0xFFFFFE80]  }
0xcd: {  	v12 =	vld [tilespmem:s14+$0xFFFFFF80];
	v0 =	vadd.f32 v2, v0  }
0xce: {  	s0 =	simm.s32 $0xCC00;
	v2 =	vld [tilespmem:s21+$0xFFFFFE00]  }
0xcf: {  	v11 =	vld [tilespmem:s14+$0xFFFFFF00];
	v1 =	vmul.f32 $8.000000000e+00, v1;
	[tilespmem:s0+$0x180] =	vst v0  }
0xd0: {  	v0 =	vld [tilespmem:s21+$0x190]  }
0xd1: {  	v7 =	vld [tilespmem:s21+$0x100];
	v4 =	vmul.f32 $8.000000000e+00, v4;
	v1 =	vadd.f32 v9, v1  }
0xd2: {  	v3 =	vmul.f32 $8.000000000e+00, v3;
	v10 =	vld [tilespmem:s14+$0x190]  }
0xd3: {  	v9 =	vld [tilespmem:s14+$0x80];
	v4 =	vadd.f32 v12, v4;
	[tilespmem:s0+$0xFFFFFE80] =	vst v1;
	v2 =	vmul.f32 $8.000000000e+00, v2  }
0xd4: {  	v1 =	vadd.f32 v11, v3;
	v3 =	vmul.f32 $8.000000000e+00, v5;
	v5 =	vld [tilespmem:s21+$0xFFFFFE90]  }
0xd5: {  	[tilespmem:s0+$0xFFFFFF80] =	vst v4;
	v2 =	vadd.f32 v8, v2;
	v8 =	vld [tilespmem:s14+$0x0];
	v0 =	vmul.f32 $8.000000000e+00, v0  }
0xd6: {  	v11 =	vld [tilespmem:s14+$0xFFFFFF90]  }
0xd7: {  	[tilespmem:s0+$0xFFFFFE00] =	vst v2;
	v2 =	vld [tilespmem:s14+$0x100];
	v0 =	vadd.f32 v10, v0  }
0xd8: {  	[tilespmem:s0+$0xFFFFFF00] =	vst v1;
	v10 =	vld [tilespmem:s21+$0xFFFFFE10]  }
0xd9: {  	[tilespmem:s0+$0x190] =	vst v0;
	v0 =	vmul.f32 $8.000000000e+00, v6;
	v6 =	vmul.f32 $8.000000000e+00, v7;
	v7 =	vld [tilespmem:s21+$0xFFFFFF10]  }
0xda: {  	v3 =	vadd.f32 v8, v3;
	v8 =	vld [tilespmem:s14+$0xFFFFFE10]  }
0xdb: {  	v1 =	vld [tilespmem:s21+$0x1A0]  }
0xdc: {  	v4 =	vld [tilespmem:s14+$0x1A0]  }
0xdd: {  	v0 =	vadd.f32 v9, v0;
	v9 =	vld [tilespmem:s14+$0xFFFFFF10]  }
0xde: {  	[tilespmem:s0+$0x0] =	vst v3;
	v2 =	vadd.f32 v2, v6;
	v3 =	vld [tilespmem:s21+$0xFFFFFF90]  }
0xdf: {  	v10 =	vmul.f32 $8.000000000e+00, v10;
	[tilespmem:s0+$0x80] =	vst v0;
	v0 =	vld [tilespmem:s21+$0x10]  }
0xe0: {  	[tilespmem:s0+$0x100] =	vst v2;
	v2 =	vld [tilespmem:s21+$0x90];
	v7 =	vmul.f32 $8.000000000e+00, v7  }
0xe1: {  	v6 =	vld [tilespmem:s21+$0x110];
	v8 =	vadd.f32 v8, v10;
	v1 =	vmul.f32 $8.000000000e+00, v1  }
0xe2: {  	v10 =	vld [tilespmem:s14+$0x10];
	v7 =	vadd.f32 v9, v7  }
0xe3: {  	[tilespmem:s0+$0xFFFFFE10] =	vst v8;
	v8 =	vld [tilespmem:s14+$0x110];
	v1 =	vadd.f32 v4, v1  }
0xe4: {  	v3 =	vmul.f32 $8.000000000e+00, v3;
	v4 =	vld [tilespmem:s14+$0xFFFFFE90];
	[tilespmem:s0+$0xFFFFFF10] =	vst v7  }
0xe5: {  	[tilespmem:s0+$0x1A0] =	vst v1;
	v9 =	vld [tilespmem:s21+$0xFFFFFF20]  }
0xe6: {  	v0 =	vmul.f32 $8.000000000e+00, v0;
	v3 =	vadd.f32 v11, v3;
	v1 =	vld [tilespmem:s21+$0x1B0]  }
0xe7: {  	v62 =	vld [tilespmem:s14+$0x1B0]  }
0xe8: {  	v5 =	vmul.f32 $8.000000000e+00, v5;
	[tilespmem:s0+$0xFFFFFF90] =	vst v3;
	v0 =	vadd.f32 v10, v0;
	v10 =	vld [tilespmem:s14+$0xFFFFFF20]  }
0xe9: {  	v3 =	vld [tilespmem:s21+$0xFFFFFFA0]  }
0xea: {  	v6 =	vmul.f32 $8.000000000e+00, v6;
	v4 =	vadd.f32 v4, v5;
	v5 =	vld [tilespmem:s14+$0x90]  }
0xeb: {  	v11 =	vld [tilespmem:s14+$0xFFFFFFA0];
	[tilespmem:s0+$0x10] =	vst v0  }
0xec: {  	v0 =	vadd.f32 v8, v6;
	v6 =	vld [tilespmem:s21+$0x20]  }
0xed: {  	v2 =	vmul.f32 $8.000000000e+00, v2;
	[tilespmem:s0+$0xFFFFFE90] =	vst v4;
	v4 =	vld [tilespmem:s21+$0xFFFFFE20]  }
0xee: {  	v7 =	vld [tilespmem:s21+$0xFFFFFEA0]  }
0xef: {  	[tilespmem:s0+$0x110] =	vst v0;
	v2 =	vadd.f32 v5, v2;
	v5 =	vld [tilespmem:s14+$0xFFFFFE20]  }
0xf0: {  	v0 =	vld [tilespmem:s21+$0x120];
	v3 =	vmul.f32 $8.000000000e+00, v3  }
0xf1: {  	v8 =	vld [tilespmem:s14+$0xFFFFFEA0];
	[tilespmem:s0+$0x90] =	vst v2  }
0xf2: {  	v3 =	vadd.f32 v11, v3;
	v4 =	vmul.f32 $8.000000000e+00, v4;
	v2 =	vld [tilespmem:s21+$0xA0]  }
0xf3: {  	v13 =	vld [tilespmem:s14+$0xA0]  }
0xf4: {  	v7 =	vmul.f32 $8.000000000e+00, v7;
	[tilespmem:s0+$0xFFFFFFA0] =	vst v3;
	v4 =	vadd.f32 v5, v4;
	v5 =	vld [tilespmem:s14+$0x20]  }
0xf5: {  	v9 =	vmul.f32 $8.000000000e+00, v9;
	v3 =	vld [tilespmem:s21+$0xFFFFFFB0]  }
0xf6: {  	[tilespmem:s0+$0xFFFFFE20] =	vst v4;
	v4 =	vadd.f32 v8, v7;
	v7 =	vld [tilespmem:s14+$0x120]  }
0xf7: {  	v6 =	vmul.f32 $8.000000000e+00, v6;
	v8 =	vadd.f32 v10, v9;
	v9 =	vld [tilespmem:s21+$0xFFFFFE30]  }
0xf8: {  	v2 =	vmul.f32 $8.000000000e+00, v2;
	[tilespmem:s0+$0xFFFFFEA0] =	vst v4;
	v4 =	vld [tilespmem:s14+$0xFFFFFE30]  }
0xf9: {  	v0 =	vmul.f32 $8.000000000e+00, v0;
	[tilespmem:s0+$0xFFFFFF20] =	vst v8;
	v10 =	vld [tilespmem:s21+$0xFFFFFEB0];
	v5 =	vadd.f32 v5, v6  }
0xfa: {  	v6 =	vld [tilespmem:s21+$0xFFFFFF30];
	v2 =	vadd.f32 v13, v2  }
0xfb: {  	v14 =	vld [tilespmem:s14+$0xFFFFFEB0];
	[tilespmem:s0+$0x20] =	vst v5;
	v0 =	vadd.f32 v7, v0  }
0xfc: {  	[tilespmem:s0+$0xA0] =	vst v2;
	v11 =	vld [tilespmem:s21+$0x30]  }
0xfd: {  	v2 =	vld [tilespmem:s21+$0xB0];
	[tilespmem:s0+$0x120] =	vst v0  }
0xfe: {  	v0 =	vmul.f32 $8.000000000e+00, v1;
	v63 =	vld [tilespmem:s21+$0x130]  }
0xff: {  	v5 =	vld [tilespmem:s14+$0xFFFFFF30];
	v1 =	vmul.f32 $8.000000000e+00, v9  }
0x100: {  	v8 =	vadd.f32 v62, v0;
	v0 =	vld [tilespmem:s14+$0xFFFFFFB0]  }
0x101: {  	v10 =	vmul.f32 $8.000000000e+00, v10;
	v7 =	vmul.f32 $8.000000000e+00, v6;
	v9 =	vadd.f32 v4, v1;
	v1 =	vld [tilespmem:s14+$0x30]  }
0x102: {  	v4 =	vld [tilespmem:s14+$0xB0];
	[tilespmem:s0+$0x1B0] =	vst v8;
	v8 =	vmul.f32 $8.000000000e+00, v3;
	v3 =	vmul.f32 $8.000000000e+00, v11  }
0x103: {  	s19 =	simm.s32 $0x0;
	s21 =	simm.s32 $0x6C00;
	v10 =	vadd.f32 v14, v10;
	[tilespmem:s0+$0xFFFFFE30] =	vst v9;
	v6 =	vmul.f32 $8.000000000e+00, v2;
	v9 =	vld [tilespmem:s14+$0x130];
	v2 =	vmul.f32 $8.000000000e+00, v63  }
.LBB2_5:
0x104: {  	v11 =	vld [tilespmem:s21+$0x180];
	s19 =	sadd.s32 $0x8, s19;
	v5 =	vadd.f32 v5, v7  }
0x105: {  	s14 =	sadd.s32 $0x400, s14;
	v7 =	vld [tilespmem:s21+$0xFFFFFE80];
	p0 =	slt.u32 s19, $0xC0;
	[tilespmem:s0+$0xFFFFFEB0] =	vst v10;
	v0 =	vadd.f32 v0, v8  }
0x106: {  	v8 =	vld [tilespmem:s14+$0x180];
	[tilespmem:s0+$0xFFFFFF30] =	vst v5;
	v1 =	vadd.f32 v1, v3  }
0x107: {  	v3 =	vld [tilespmem:s21+$0xFFFFFF00];
	[tilespmem:s0+$0xFFFFFFB0] =	vst v0;
	v0 =	vadd.f32 v4, v6  }
0x108: {  	v4 =	vld [tilespmem:s21+$0xFFFFFF80];
	[tilespmem:s0+$0x30] =	vst v1;
	v1 =	vadd.f32 v9, v2  }
0x109: {  	v2 =	vld [tilespmem:s21+$0x0];
	v5 =	vmul.f32 $8.000000000e+00, v11;
	[tilespmem:s0+$0xB0] =	vst v0  }
0x10a: {  	v0 =	vmul.f32 $8.000000000e+00, v7;
	v6 =	vld [tilespmem:s21+$0x80];
	[tilespmem:s0+$0x130] =	vst v1  }
0x10b: {  	v1 =	vld [tilespmem:s21+$0x100];
	v5 =	vadd.f32 v8, v5  }
0x10c: {  	s0 =	sadd.s32 $0x400, s0;
	v7 =	vld [tilespmem:s21+$0xFFFFFE00];
	v3 =	vmul.f32 $8.000000000e+00, v3  }
0x10d: {  	v8 =	vld [tilespmem:s14+$0xFFFFFE00];
	v4 =	vmul.f32 $8.000000000e+00, v4;
	[tilespmem:s0+$0x180] =	vst v5  }
0x10e: {  	v2 =	vmul.f32 $8.000000000e+00, v2;
	v5 =	vld [tilespmem:s21+$0x190]  }
0x10f: {  	v9 =	vld [tilespmem:s14+$0xFFFFFE80];
	v6 =	vmul.f32 $8.000000000e+00, v6  }
0x110: {  	v1 =	vmul.f32 $8.000000000e+00, v1;
	v10 =	vld [tilespmem:s14+$0x190]  }
0x111: {  	v7 =	vmul.f32 $8.000000000e+00, v7;
	v11 =	vld [tilespmem:s14+$0xFFFFFF00]  }
0x112: {  	v12 =	vld [tilespmem:s14+$0xFFFFFF80]  }
0x113: {  	v7 =	vadd.f32 v8, v7;
	v8 =	vld [tilespmem:s14+$0x0];
	v5 =	vmul.f32 $8.000000000e+00, v5  }
0x114: {  	v0 =	vadd.f32 v9, v0;
	v9 =	vld [tilespmem:s14+$0x80]  }
0x115: {  	[tilespmem:s0+$0xFFFFFE00] =	vst v7;
	v7 =	vld [tilespmem:s14+$0x100];
	v5 =	vadd.f32 v10, v5  }
0x116: {  	v10 =	vld [tilespmem:s21+$0xFFFFFE10];
	[tilespmem:s0+$0xFFFFFE80] =	vst v0;
	v0 =	vadd.f32 v11, v3  }
0x117: {  	v3 =	vld [tilespmem:s21+$0xFFFFFE90];
	v4 =	vadd.f32 v12, v4;
	[tilespmem:s0+$0x190] =	vst v5  }
0x118: {  	[tilespmem:s0+$0xFFFFFF00] =	vst v0;
	v0 =	vadd.f32 v8, v2;
	v2 =	vld [tilespmem:s21+$0x1A0]  }
0x119: {  	v5 =	vld [tilespmem:s21+$0xFFFFFF10];
	[tilespmem:s0+$0xFFFFFF80] =	vst v4;
	v4 =	vadd.f32 v9, v6  }
0x11a: {  	[tilespmem:s0+$0x0] =	vst v0;
	v0 =	vadd.f32 v7, v1;
	v1 =	vld [tilespmem:s14+$0x1A0]  }
0x11b: {  	v6 =	vmul.f32 $8.000000000e+00, v10;
	v7 =	vld [tilespmem:s21+$0xFFFFFF90];
	[tilespmem:s0+$0x80] =	vst v4  }
0x11c: {  	v3 =	vmul.f32 $8.000000000e+00, v3;
	v4 =	vld [tilespmem:s21+$0x10];
	[tilespmem:s0+$0x100] =	vst v0  }
0x11d: {  	v0 =	vld [tilespmem:s21+$0x90];
	v2 =	vmul.f32 $8.000000000e+00, v2  }
0x11e: {  	v5 =	vmul.f32 $8.000000000e+00, v5;
	v8 =	vld [tilespmem:s21+$0x110]  }
0x11f: {  	v9 =	vld [tilespmem:s14+$0xFFFFFE10];
	v1 =	vadd.f32 v1, v2  }
0x120: {  	v2 =	vld [tilespmem:s14+$0xFFFFFE90];
	v7 =	vmul.f32 $8.000000000e+00, v7  }
0x121: {  	v10 =	vld [tilespmem:s14+$0xFFFFFF10];
	v4 =	vmul.f32 $8.000000000e+00, v4;
	[tilespmem:s0+$0x1A0] =	vst v1  }
0x122: {  	v0 =	vmul.f32 $8.000000000e+00, v0;
	v1 =	vld [tilespmem:s21+$0x1B0]  }
0x123: {  	v11 =	vld [tilespmem:s14+$0xFFFFFF90];
	v8 =	vmul.f32 $8.000000000e+00, v8  }
0x124: {  	v6 =	vadd.f32 v9, v6;
	v9 =	vld [tilespmem:s14+$0x1B0]  }
0x125: {  	v2 =	vadd.f32 v2, v3;
	v3 =	vld [tilespmem:s14+$0x10]  }
0x126: {  	[tilespmem:s0+$0xFFFFFE10] =	vst v6;
	v5 =	vadd.f32 v10, v5;
	v6 =	vld [tilespmem:s14+$0x90]  }
0x127: {  	[tilespmem:s0+$0xFFFFFE90] =	vst v2;
	v2 =	vld [tilespmem:s14+$0x110];
	v1 =	vmul.f32 $8.000000000e+00, v1  }
0x128: {  	v10 =	vld [tilespmem:s21+$0xFFFFFE20];
	[tilespmem:s0+$0xFFFFFF10] =	vst v5;
	v5 =	vadd.f32 v11, v7  }
0x129: {  	v7 =	vld [tilespmem:s21+$0xFFFFFEA0];
	v1 =	vadd.f32 v9, v1  }
0x12a: {  	v9 =	vld [tilespmem:s21+$0xFFFFFF20];
	[tilespmem:s0+$0xFFFFFF90] =	vst v5;
	v3 =	vadd.f32 v3, v4  }
0x12b: {  	v4 =	vld [tilespmem:s21+$0xFFFFFFA0];
	v0 =	vadd.f32 v6, v0;
	[tilespmem:s0+$0x1B0] =	vst v1  }
0x12c: {  	v1 =	vld [tilespmem:s14+$0xFFFFFE20];
	[tilespmem:s0+$0x10] =	vst v3;
	v2 =	vadd.f32 v2, v8  }
0x12d: {  	v3 =	vmul.f32 $8.000000000e+00, v10;
	v5 =	vld [tilespmem:s21+$0x20];
	[tilespmem:s0+$0x90] =	vst v0  }
0x12e: {  	v0 =	vmul.f32 $8.000000000e+00, v7;
	v6 =	vld [tilespmem:s21+$0xA0];
	[tilespmem:s0+$0x110] =	vst v2  }
0x12f: {  	v2 =	vmul.f32 $8.000000000e+00, v9;
	v7 =	vld [tilespmem:s21+$0x120]  }
0x130: {  	v8 =	vld [tilespmem:s14+$0xFFFFFEA0];
	v4 =	vmul.f32 $8.000000000e+00, v4  }
0x131: {  	v1 =	vadd.f32 v1, v3;
	v3 =	vld [tilespmem:s14+$0xFFFFFF20]  }
0x132: {  	v9 =	vld [tilespmem:s14+$0xFFFFFFA0];
	v5 =	vmul.f32 $8.000000000e+00, v5  }
0x133: {  	[tilespmem:s0+$0xFFFFFE20] =	vst v1;
	v1 =	vld [tilespmem:s14+$0x20];
	v6 =	vmul.f32 $8.000000000e+00, v6  }
0x134: {  	v10 =	vld [tilespmem:s14+$0xA0];
	v7 =	vmul.f32 $8.000000000e+00, v7  }
0x135: {  	v0 =	vadd.f32 v8, v0;
	v8 =	vld [tilespmem:s14+$0x120]  }
0x136: {  	v11 =	vld [tilespmem:s21+$0xFFFFFE30];
	v2 =	vadd.f32 v3, v2  }
0x137: {  	v3 =	vld [tilespmem:s14+$0xFFFFFE30];
	[tilespmem:s0+$0xFFFFFEA0] =	vst v0;
	v0 =	vadd.f32 v9, v4  }
0x138: {  	v4 =	vld [tilespmem:s21+$0xFFFFFEB0];
	[tilespmem:s0+$0xFFFFFF20] =	vst v2;
	v1 =	vadd.f32 v1, v5  }
0x139: {  	v2 =	vld [tilespmem:s21+$0xFFFFFF30];
	[tilespmem:s0+$0xFFFFFFA0] =	vst v0;
	v0 =	vadd.f32 v10, v6  }
0x13a: {  	v6 =	vld [tilespmem:s21+$0xFFFFFFB0];
	[tilespmem:s0+$0x20] =	vst v1;
	v1 =	vadd.f32 v8, v7  }
0x13b: {  	v5 =	vmul.f32 $8.000000000e+00, v11;
	v9 =	vld [tilespmem:s21+$0x30];
	[tilespmem:s0+$0xA0] =	vst v0  }
0x13c: {  	v10 =	vld [tilespmem:s21+$0xB0];
	[tilespmem:s0+$0x120] =	vst v1  }
0x13d: {  	v0 =	vadd.f32 v3, v5;
	v11 =	vmul.f32 $8.000000000e+00, v4;
	v12 =	vld [tilespmem:s21+$0x130]  }
0x13e: {  	v13 =	vld [tilespmem:s14+$0xFFFFFEB0];
	v7 =	vmul.f32 $8.000000000e+00, v2  }
.Ltmp1:
0x13f: {  	[tilespmem:s0+$0xFFFFFE30] =	vst v0;
	v5 =	vld [tilespmem:s14+$0xFFFFFF30];
	v8 =	vmul.f32 $8.000000000e+00, v6;
	(pc) =	sbr.rel @p0 .LBB2_5-.Ltmp1, $4  }
0x140: {  	v0 =	vld [tilespmem:s14+$0xFFFFFFB0];
	v3 =	vmul.f32 $8.000000000e+00, v9  }
0x141: {  	v1 =	vld [tilespmem:s14+$0x30];
	v6 =	vmul.f32 $8.000000000e+00, v10  }
0x142: {  	v4 =	vld [tilespmem:s14+$0xB0];
	v2 =	vmul.f32 $8.000000000e+00, v12  }
0x143: {  	s21 =	sadd.s32 $0x400, s21;
	v10 =	vadd.f32 v13, v11;
	v9 =	vld [tilespmem:s14+$0x130]  }
0x144: {  	v5 =	vadd.f32 v5, v7  }
0x145: {  	s31 =	sadd.s32 $0x1, s31;
	[tilespmem:s0+$0xFFFFFEB0] =	vst v10;
	v0 =	vadd.f32 v0, v8  }
0x146: {  	p0 =	sne.s32 s31, $0x40;
	[tilespmem:s0+$0xFFFFFF30] =	vst v5;
	v1 =	vadd.f32 v1, v3  }
.Ltmp2:
0x147: {  	[tilespmem:s0+$0xFFFFFFB0] =	vst v0;
	v62 =	vadd.f32 v4, v6;
	(pc) =	sbr.rel @p0 .LBB2_2-.Ltmp2, $4  }
0x148: {  	s1 =	sadd.s32 s1, s12;
	[tilespmem:s0+$0x30] =	vst v1;
	v63 =	vadd.f32 v9, v2  }
0x149: {  	s1 =	sshll.u32 s1, $0x4;
	[tilespmem:s0+$0xB0] =	vst v62  }
0x14a: {  	s21 =	sadd.s32 s7, s1;
	[tilespmem:s0+$0x130] =	vst v63  }
0x14b: {  	[hbm4b:s21+s3] =	stream.linear.scatter [tilespmem:s28], [sflag:$0x5], $0x6400, $0x38;
	[tilespmem:$0x19200] =	vst v63  }
0x14c: {  	s30 =	sadd.s32 $0x1, s30  }
0x14d: {  	p0 =	sne.s32 s30, s13  }
.Ltmp3:
0x14e: {  	_ = 	snop;
	(pc) =	sbr.rel @p0 .LBB2_1-.Ltmp3, $4  }
0x14f: {  	_ = 	snop  }
0x150: {  	_ =	swait.ge [sflag:s29], $0x6400  }
0x151: {  	[sflag:s29] =	ssyncset.done $0x0  }
0x152: {  	[sflag:s29] =	ssyncadd.s32 $0xFFFF9C00  }
0x153: {  	_ =	sfence.sel $0x180000  }
0x154: {  	[bflag:$0x0] =	sbarrier.arrive $0xFFFF  }
0x155: {  	_ =	strace $0x90000047  }
0x156: {  	s0 =	stileid.u32;
	[bflag:$0x2] =	sbarrier.arrive $0xFFFF  }
0x157: {  	p0 =	sne.s32 s0, $0x0;
	s0 =	rddreg [dreg:$0x2]  }
0x158: {  	s0 =	sadd.s32 @!p0 $0x100000, s0  }
0x159: {  	[sflag:s0] =	ssyncadd.tile.s32 @!p0 $0x1;
	_ =	shalt  }
.Lfunc_end2:
_tile_overlayer_lowered:
.L_overlay_start_2:
0x15a: {  	(tag) =	ssettag $0x2  }
0x15b: {  	s0 =	rddreg [dreg:$0x0];
	s2 =	stileid.u32  }
0x15c: {  	s1 =	rddreg [dreg:$0x1];
	p0 =	sne.s32 s2, $0x0  }
0x15d: {  	s3 =	rddreg [dreg:$0x2];
	[bflag:$0x3] =	sbarrier.arrive $0xFFFF;
	s2 =	simm.s32 @!p0 $0x1C06  }
0x15e: {  	[timem:s3], [sflag:s2] =	dma.local @!p0 [hbm:s0], s1  }
0x15f: {  	s0 =	simm.s32 @!p0 $0x6  }
0x160: {  	_ =	swait.ge @!p0 [sflag:s0], s1  }
0x161: {  	s1 =	ssub.s32 @!p0 $0x0, s1;
	[sflag:s0] =	ssyncset.done @!p0 $0x0  }
0x162: {  	[sflag:s0] =	ssyncadd.s32 @!p0 s1  }
0x163: {  	[bflag:$0x3] =	sbarrier.arrive $0xFFFF  }
0x164: {  	_ =	shalt  }

// kernel: sparse-core-data-format-call.cloned.1.call-start
scs
called_computation_lowered:
.L_overlay_start_0:
0x0: {  	s2 =	sld [smem:$0x3FD9]  }
0x1: {  	s3 =	sld [smem:$0x3FFE];
	_ =	sdelay $0x1  }
0x2: {  	s1 =	srdreg.scid  }
0x3: {  	s0 =	sand.u32 $0x1, s1  }
0x4: {  	s18 =	sshll.u32 s0, $0xA;
	s2 =	sadd.s32 s3, s2  }
0x5: {  	s2 =	sadd.s32 s2, s18  }
0x6: {  	[smem:$0x3FC5] =	sst s2  }
0x7: {  	_ = 	snop  }
0x8: {  	s2 =	sld [smem:$0x3FD0];
	(tm) =	ssettm $0x1  }
0x9: {  	s19 =	sld [smem:$0x3FFB];
	_ =	sdelay $0x3  }
0xa: {  	_ =	strace s19  }
0xb: {  	s3 =	sld [smem:$0x3FFC];
	_ =	sdelay $0x3  }
0xc: {  	_ =	strace s3  }
0xd: {  	s3 =	sld [smem:$0x3FFD];
	_ =	sdelay $0x3  }
0xe: {  	_ =	strace s3  }
0xf: {  	_ =	strace $0x8FFFFFFF  }
0x10: {  	s20 =	sld [smem:$0x3FDB];
	_ =	sdelay $0x1  }
0x11: {  	s4 =	simm.s32 $_scs_section_size  }
0x12: {  	s5 =	simm.s32 $_size__tile_overlayer_lowered;
	s6 =	simm.s32 $_tile_overlayer_lowered  }
0x13: {  	s23 =	simm.s32 $0x1BFF;
	s22 =	sshll.u32 s6, $0x1;
	s3 =	sadd.s32 s4, s20  }
0x14: {  	s7 =	simm.s32 $0x0;
	s21 =	sshll.u32 s5, $0x1;
	s5 =	sadd.s32 s22, s3  }
0x15: {  	[timem:s7], [sflag:s23] =	dma.local [hbm:s5], s21  }
0x16: {  	_ =	swait.ge [sflag:s23], s21  }
0x17: {  	s4 =	ssub.s32 $0x0, s21;
	[sflag:s23] =	ssyncset.done $0x0  }
0x18: {  	[sflag:s23] =	ssyncadd.s32 s4;
	_ =	sdelay $0x1  }
0x19: {  	s24 =	simm.s32 $0x1B8B  }
0x1a: {  	_ =	swait.ge [sflag:s24], $0x1  }
0x1b: {  	[sflag:s24] =	ssyncset.done $0x0  }
0x1c: {  	s26 =	simm.s32 $0x1B8E;
	s25 =	sld [smem:$0x3FFE];
	[sflag:s24] =	ssyncadd.s32 $0xFFFFFFFF  }
0x1d: {  	s27 =	simm.s32 $execute0_lowered;
	[smem:$0x3FD2] =	sst s26  }
0x1e: {  	s5 =	sshll.u32 s27, $0x1;
	_ =	strace $0x80000049;
	[dreg:$0x1] =	wrdreg $0xFFFFFFFF  }
0x1f: {  	s28 =	simm.s32 $_size_execute0_lowered;
	s3 =	sadd.s32 s3, s5;
	[dreg:$0x0] =	wrdreg $0x0  }
0x20: {  	s5 =	sshll.u32 s28, $0x1;
	[dreg:$0x2] =	wrdreg s3  }
0x21: {  	[dreg:$0x3] =	wrdreg s5  }
0x22: {  	[dreg:$0x4] =	wrdreg $0xC0  }
0x23: {  	_ =	task [dreg:s7], $0x5FFFF  }
0x24: {  	[dreg:$0x1] =	wrdreg $0xFFFFFFFF  }
0x25: {  	[dreg:$0x0] =	wrdreg $0x60  }
0x26: {  	[dreg:$0x2] =	wrdreg s25  }
0x27: {  	[dreg:$0x3] =	wrdreg s2  }
0x28: {  	[dreg:$0x4] =	wrdreg $0x9  }
0x29: {  	_ =	task.clear_ibuf [dreg:s7], $0x5FFFF;
	_ =	strace $0x90000049  }
0x2a: {  	s29 =	simm.s32 $0x9;
	_ =	strace $0x8000004B  }
0x2b: {  	_ =	swait.ge [sflag:s29], $0x1  }
0x2c: {  	[sflag:s29] =	ssyncadd.s32 $0xFFFFFFFF  }
0x2d: {  	_ =	strace $0x9000004B  }
0x2e: {  	_ =	sfence  }
0x2f: {  	s30 =	sld [smem:$0x0];
	_ =	sdelay $0x2  }
0x30: {  	s31 =	sshll.u32 s1, $0xD;
	s1 =	sshrl.u32 s1, $0x2  }
0x31: {  	s3 =	sand.u32 $0x4000, s31;
	s1 =	sadd.s32 s1, s30  }
0x32: {  	s0 =	sor.u32 s3, s0;
	s1 =	sshll.u32 s1, $0x11  }
0x33: {  	s0 =	sor.u32 s1, s0  }
0x34: {  	s0 =	sadd.s32 $0x8F2B, s0  }
0x35: {  	[sflag:s0] =	ssyncadd.remote.s32 $0x1  }
0x36: {  	_ =	sfence.sel $0xFFFF  }
0x37: {  	[dreg:$0x0] =	wrdreg $0xFFFFFFFF;
	(pc) =	sbr.abs _section_cstart, $3  }
0x38: {  	[dreg:$0x1] =	wrdreg $0xFFFFFFFF  }
0x39: {  	_ =	task.clear_ibuf [dreg:s7], $0x2FFFF;
	_ =	strace $0x9FFFFFFF  }
0x3a: {  	(tm) =	ssettm $0x7FFFFFFF  }
0x3b: {  	_ =	shalt  }
tec
execute0_lowered:
.L_overlay_start_1:
0x0: {  	(tag) =	ssettag $0x1  }
0x1: {  	s0 =	srdreg.scid  }
0x2: {  	s1 =	sshll.u32 s0, $0x4  }
0x3: {  	s0 =	stileid.u32;
	s1 =	sand.u32 $0x10, s1  }
0x4: {  	s1 =	sor.u32 s0, s1  }
0x5: {  	s6 =	rddreg [dreg:$0x0];
	s4 =	simm.s32 $0x1;
	s2 =	sshll.u32 s1, $0x7  }
0x6: {  	s7 =	simm.s32 $0x2;
	s12 =	simm.s32 $0x0;
	s1 =	ssub.s32 $0x1000, s2  }
0x7: {  	s8 =	simm.s32 $0x8000;
	s13 =	simm.s32 $0x0;
	s3 =	sand.u32 $0xF80, s1  }
0x8: {  	s9 =	simm.s32 $0x0;
	s5 =	sshrl.u32 s1, $0xC;
	p0 =	sne.s32 s3, $0x0  }
.Ltmp0:
0x9: {  	s1 =	rddreg [dreg:$0x2];
	s4 =	simm.s32 @!p0 $0x0;
	(pc) =	sbr.rel .LBB1_1-.Ltmp0, $4  }
0xa: {  	s11 =	simm.s32 $0x0;
	s3 =	rddreg [dreg:$0x1];
	s5 =	sadd.s32 s4, s5  }
0xb: {  	_ =	strace $0x8000004A;
	s4 =	simm.s32 $0x1;
	s5 =	smul.u32 $0xC8, s5  }
0xc: {  	s6 =	sadd.s32 $0xC00, s6;
	s10 =	smov.u32 s2;
	[sflag:s4] =	ssyncpa.u1 $0x0  }
0xd: {  	p0 =	por $0x0, $0x0;
	[sflag:s7] =	ssyncpa.u1 $0x0;
	s7 =	sor.u32 $0x1, s5  }
.LBB1_4:
0xe: {  	s16 =	sshll.u32 s13, $0x3;
	s17 =	sand.u32 $0x78, s13  }
0xf: {  	s30 =	sand.u32 $0x7E00, s13;
	s12 =	sshll.u32 s12, $0xF;
	s16 =	sand.u32 $0xC00, s16  }
0x10: {  	[tilespmem:s15+$0x810 ss:$0x81] =	vst.msk $0xffff, v2;
	s31 =	sand.u32 $0x7, s13;
	s16 =	sor.u32 s17, s16;
	s17 =	sadd.s32 s3, s30  }
0x11: {  	[tilespmem:s15+$0x1020 ss:$0x81] =	vst.msk $0xffff, v0;
	s13 =	sshll.u32 s31, $0x12;
	s12 =	sadd.s32 s12, s17;
	s16 =	sshrl.u32 s16, $0x3  }
0x12: {  	[tilespmem:s15+$0x0 ss:$0x81] =	vst.msk $0xffff, v1;
	s13 =	sor.u32 $0x400, s13;
	s12 =	sadd.s32 s16, s12  }
0x13: {  	[hbm4b:s12+s13] =	stream.strided.scatter [tilespmem:s14], [sflag:$0x2], $0x2000, s8, s13, $0x20;
	[tilespmem:$0x8080] =	vst v63  }
.LBB1_5:
0x14: {  	s14 =	sadd.s32 $0x1, s9  }
0x15: {  	s12 =	sadd.s32 $0x1000, s10;
	s16 =	smov.u32 s10;
	p2 =	sgt.s32 s14, $0xC7  }
0x16: {  	s16 =	smov.u32 @p2 s12  }
0x17: {  	s14 =	simm.s32 @p2 $0x0;
	p2 =	sgt.s32 s16, $0xFFF  }
0x18: {  	s16 =	smov.u32 @p2 s2;
	p2 =	sne.s32 s11, s7  }
.Ltmp1:
0x19: {  	p1 =	slt.u32 s11, $0x2;
	(pc) =	sbr.rel @!p2 .LBB1_6-.Ltmp1, $4  }
0x1a: {  	s15 =	simm.s32 @!p1 $0x2  }
0x1b: {  	s13 =	smov.u32 s10;
	p0 =	por !p0, !p0;
	_ =	swait.ge @!p1 [sflag:s15], $0x2000  }
0x1c: {  	s12 =	smov.u32 s9;
	[sflag:s15] =	ssyncset.done @!p1 $0x0;
	s9 =	smov.u32 s14  }
0x1d: {  	s11 =	sadd.s32 $0x1, s11;
	[sflag:s15] =	ssyncadd.s32 @!p1 $0xFFFFE000;
	s10 =	smov.u32 s16  }
.LBB1_1:
0x1e: {  	p1 =	sge.u32 s11, s5  }
0x1f: {  	s14 =	sand.u32 @!p1 $0x1FFFFFF, s9  }
0x20: {  	s15 =	smulhi.u32 @!p1 $0x147AE15, s14;
	_ =	sdelay $0x1  }
0x21: {  	s15 =	smul.u32 @!p1 $0xC8, s15  }
0x22: {  	s16 =	sxor.u32 @!p1 $0xFFFFFFFF, s11;
	s17 =	smul.u32 @!p1 $0xC80, s10  }
0x23: {  	s31 =	sadd.s32 $0xFFFFFFFF, s11;
	s16 =	sshll.u32 @!p1 s16, $0xD;
	s14 =	ssub.s32 @!p1 s14, s15  }
0x24: {  	s15 =	sand.u32 @!p1 $0x2000, s16;
	s16 =	sadd.s32 @!p1 s6, s17;
	s14 =	sshll.u32 @!p1 s14, $0x4  }
0x25: {  	s17 =	simm.s32 @!p1 $0x6400;
	s14 =	sadd.s32 @!p1 s14, s16;
	s16 =	simm.s32 @!p1 $0x40  }
0x26: {  	[tilespmem:s15], [sflag:$0x1] =	stream.strided.gather @!p1 [hbm4b:s14+s16], $0x2000, s17, s16, $0x38;
	[tilespmem:$0x8080] =	vst v63  }
0x27: {  	p1 =	sge.u32 s31, s5  }
.Ltmp2:
0x28: {  	_ = 	snop;
	(pc) =	sbr.rel @p1 .LBB1_5-.Ltmp2, $1  }
0x29: {  	_ =	sdelay $0x3  }
0x2a: {  	s14 =	simm.s32 $0x1  }
0x2b: {  	_ =	swait.ge [sflag:s4], $0x2000;
	s14 =	simm.s32 @!p0 $0x0  }
0x2c: {  	[sflag:s4] =	ssyncset.done $0x0;
	s15 =	sshll.u32 s14, $0xD  }
0x2d: {  	[sflag:s4] =	ssyncadd.s32 $0xFFFFE000;
	s18 =	sor.u32 $0x20, s15  }
0x2e: {  	s14 =	smul.u32 $0x8100, s14;
	v3 =	vld [tilespmem:s18+$0x10]  }
0x2f: {  	s30 =	sand.u32 $0x1, s11;
	v2 =	vld [tilespmem:s18+$0xFFFFFFF0]  }
0x30: {  	s15 =	smul.u32 $0x8100, s30;
	s14 =	sshrl.u32 s14, $0x2;
	v0 =	vld [tilespmem:s18+$0x0]  }
0x31: {  	v1 =	vld [tilespmem:s18+$0xFFFFFFE0];
	s16 =	sor.u32 $0x4000, s14  }
0x32: {  	s31 =	sshrl.u32 s15, $0x2;
	s15 =	sadd.s32 $0x0, s16  }
0x33: {  	s17 =	simm.s32 $0x4;
	s18 =	sadd.s32 $0x40, s18;
	s14 =	sor.u32 $0x4000, s31;
	[tilespmem:s15+$0x1830 ss:$0x81] =	vst.msk $0xffff, v3  }
.LBB1_3:
0x34: {  	v3 =	vld [tilespmem:s18+$0x10];
	p1 =	sne.s32 s17, $0x1FC;
	[tilespmem:s15+$0x810 ss:$0x81] =	vst.msk $0xffff, v2;
	s19 =	smov.u32 s17;
	s17 =	sadd.s32 $0x4, s17  }
.Ltmp3:
0x35: {  	v2 =	vld [tilespmem:s18+$0xFFFFFFF0];
	[tilespmem:s15+$0x1020 ss:$0x81] =	vst.msk $0xffff, v0;
	(pc) =	sbr.rel @p1 .LBB1_3-.Ltmp3, $4  }
0x36: {  	v0 =	vld [tilespmem:s18+$0x0];
	[tilespmem:s15+$0x0 ss:$0x81] =	vst.msk $0xffff, v1  }
0x37: {  	s15 =	sshra.s32 s19, $0x2;
	v1 =	vld [tilespmem:s18+$0xFFFFFFE0]  }
0x38: {  	s15 =	sadd.s32 s15, s16  }
0x39: {  	s18 =	sadd.s32 $0x40, s18;
	[tilespmem:s15+$0x1830 ss:$0x81] =	vst.msk $0xffff, v3  }
.Ltmp4:
0x3a: {  	_ = 	snop;
	(pc) =	sbr.rel .LBB1_4-.Ltmp4, $1  }
0x3b: {  	_ =	sdelay $0x3  }
.LBB1_6:
0x3c: {  	_ =	sfence.sel $0x180000  }
0x3d: {  	s2 =	simm.s32 $0x1;
	[bflag:$0x0] =	sbarrier.arrive $0xFFFF  }
0x3e: {  	s31 =	simm.s32 $0x2;
	[sflag:s2] =	ssyncpa.u1 $0x1  }
0x3f: {  	[sflag:s31] =	ssyncpa.u1 $0x1  }
0x40: {  	p0 =	sne.s32 s0, $0x0;
	_ =	strace $0x9000004A  }
0x41: {  	s0 =	sadd.s32 @!p0 $0x100000, s1;
	[bflag:$0x2] =	sbarrier.arrive $0xFFFF  }
0x42: {  	[sflag:s0] =	ssyncadd.tile.s32 @!p0 $0x1;
	_ =	shalt  }
.Lfunc_end1:
_tile_overlayer_lowered:
.L_overlay_start_2:
0x43: {  	(tag) =	ssettag $0x2  }
0x44: {  	s0 =	rddreg [dreg:$0x0];
	s2 =	stileid.u32  }
0x45: {  	s1 =	rddreg [dreg:$0x1];
	p0 =	sne.s32 s2, $0x0  }
0x46: {  	s3 =	rddreg [dreg:$0x2];
	[bflag:$0x3] =	sbarrier.arrive $0xFFFF;
	s2 =	simm.s32 @!p0 $0x1C01  }
0x47: {  	[timem:s3], [sflag:s2] =	dma.local @!p0 [hbm:s0], s1  }
0x48: {  	s0 =	simm.s32 @!p0 $0x1  }
0x49: {  	_ =	swait.ge @!p0 [sflag:s0], s1  }
0x4a: {  	s1 =	ssub.s32 @!p0 $0x0, s1;
	[sflag:s0] =	ssyncset.done @!p0 $0x0  }
0x4b: {  	[sflag:s0] =	ssyncadd.s32 @!p0 s1  }
0x4c: {  	[bflag:$0x3] =	sbarrier.arrive $0xFFFF  }
0x4d: {  	_ =	shalt  }

</sc_bundles>
